<compile_context>
chip_gen: v7x
topology: tpu7x:2x2x1
jax: 0.10.2.dev20260603
libtpu: 0.0.44.dev20260713+nightly
codegen_flags: <defaults>
</compile_context>

<pallas_src>
import dataclasses
import functools

import jax
import jax.numpy as jnp
from jax import lax
from jax.experimental import pallas as pl
from jax.experimental.pallas import tpu as pltpu
from jax.experimental.pallas import tpu_sc as plsc

N = 10000
E = 320000
D = 128
U = 128

NW = 32
R = 313
RP = R + 1
NPAD = 10240
CHUNK = 4000
NSTEP = CHUNK // 16
SBW = 8
NBUF = 16
WAVE = SBW * NBUF
NEG = -3.0e38


def _sc_aggregate(x, dst, src):
  mesh = plsc.VectorSubcoreMesh(core_axis_name="c", subcore_axis_name="s")
  cp = pltpu.CompilerParams()
  if "needs_layout_passes" in pltpu.CompilerParams.__dataclass_fields__:
    cp = dataclasses.replace(cp, needs_layout_passes=False)
  if "use_tc_tiling_on_sc" in pltpu.CompilerParams.__dataclass_fields__:
    cp = dataclasses.replace(cp, use_tc_tiling_on_sc=False)

  @functools.partial(
      pl.kernel,
      compiler_params=cp,
      out_type=[
          jax.ShapeDtypeStruct((NPAD * D,), jnp.float32),
          jax.ShapeDtypeStruct((NPAD * D,), jnp.float32),
          jax.ShapeDtypeStruct((NPAD * 16,), jnp.float32),
      ],
      mesh=mesh,
      scratch_types=[
          pltpu.VMEM((RP * D,), jnp.float32),
          pltpu.VMEM((RP * D,), jnp.float32),
          pltpu.VMEM((RP * 16,), jnp.float32),
          pltpu.VMEM((CHUNK,), jnp.int32),
          pltpu.VMEM((CHUNK,), jnp.int32),
          pltpu.VMEM((CHUNK,), jnp.int32),
          pltpu.VMEM((CHUNK + 16,), jnp.int32),
          pltpu.VMEM((WAVE, D), jnp.float32),
          pltpu.SMEM((4,), jnp.int32),
          pltpu.SemaphoreType.DMA,
      ],
  )
  def k(x_hbm, dst_hbm, src_hbm, osum, omax, ocnt,
        acc_s, acc_m, acc_c, dstb, srcb, sel_s, sel_d, rows, sm, sem):
    wid = lax.axis_index("s") * 2 + lax.axis_index("c")
    base = wid * R

    zf = jnp.zeros((16,), jnp.float32)
    negf = jnp.full((16,), NEG, jnp.float32)
    onef = jnp.ones((16,), jnp.float32)
    zi = jnp.zeros((16,), jnp.int32)

    @pl.loop(0, RP * 8)
    def _(i):
      acc_s[pl.ds(i * 16, 16)] = zf
      acc_m[pl.ds(i * 16, 16)] = negf

    @pl.loop(0, RP)
    def _(i):
      acc_c[pl.ds(i * 16, 16)] = zf

    iota16 = lax.iota(jnp.int32, 16)

    @pl.loop(0, CHUNK // 16)
    def _(i):
      sel_s[pl.ds(i * 16, 16)] = iota16 + i * 16

    @pl.loop(0, E // CHUNK)
    def _(c):
      pltpu.sync_copy(dst_hbm.at[pl.ds(c * CHUNK, CHUNK)], dstb)
      pltpu.sync_copy(src_hbm.at[pl.ds(c * CHUNK, CHUNK)], srcb)
      sm[0] = 0

      @pl.loop(0, NSTEP)
      def _(j):
        v = dstb[pl.ds(j * 16, 16)]
        loc = v - base
        msk = (loc >= 0) & (loc < R)
        off = sm[0]
        plsc.store_compressed(sel_s.at[pl.ds(off, 16)],
                              srcb[pl.ds(j * 16, 16)], mask=msk)
        plsc.store_compressed(sel_d.at[pl.ds(off, 16)], loc, mask=msk)
        sm[0] = off + jnp.sum(msk.astype(jnp.int32))

      nsel = sm[0]
      nwav = (nsel + WAVE - 1) // WAVE

      def wave_body(w, _):
        wbase = w * WAVE
        nb = jnp.minimum((nsel - wbase + SBW - 1) // SBW, NBUF)

        def fire(i, _):
          pltpu.async_copy(
              x_hbm.at[sel_s.at[pl.ds(wbase + i * SBW, SBW)]],
              rows.at[pl.ds(i * SBW, SBW)], sem)
          return 0

        lax.fori_loop(0, nb, fire, 0)

        def drain(i, _):
          pltpu.make_async_copy(
              x_hbm.at[pl.ds(0, SBW)],
              rows.at[pl.ds(i * SBW, SBW)], sem).wait()
          return 0

        lax.fori_loop(0, nb, drain, 0)

        hi = jnp.minimum(nsel - wbase, WAVE)

        def edge_body(e, _):
          dvec = sel_d[pl.ds(wbase + e, 16)]
          dd = dvec[0] * D
          for kk in range(8):
            v = rows[e, pl.ds(kk * 16, 16)]
            plsc.addupdate(acc_s.at[pl.ds(dd + kk * 16, 16)], v)
            mo = acc_m[pl.ds(dd + kk * 16, 16)]
            acc_m[pl.ds(dd + kk * 16, 16)] = jnp.maximum(mo, v)
          plsc.addupdate(acc_c.at[pl.ds((dd // 8), 16)], onef)
          return 0

        lax.fori_loop(0, hi, edge_body, 0)
        return 0

      lax.fori_loop(0, nwav, wave_body, 0)

    pltpu.sync_copy(acc_s.at[pl.ds(0, R * D)], osum.at[pl.ds(base * D, R * D)])
    pltpu.sync_copy(acc_m.at[pl.ds(0, R * D)], omax.at[pl.ds(base * D, R * D)])
    pltpu.sync_copy(acc_c.at[pl.ds(0, R * 16)],
                    ocnt.at[pl.ds(base * 16, R * 16)])

  return k(x, dst, src)


def _tc_epilogue(sums, maxs, cnts, Wi, Ws, bias, g2, b2):
  BLK = 1024
  inv_ln10 = 0.4342944819032518

  def body(s_ref, m_ref, c_ref, wi_ref, ws_ref, b_ref, g_ref, b2_ref, o_ref):
    cnt = c_ref[:, 0:1]
    deg = jnp.maximum(cnt, 1.0)
    scale = jnp.log(deg + 1.0) * inv_ln10
    sm = s_ref[...]
    mx = jnp.where(cnt > 0, m_ref[...], 0.0)
    mean = sm / deg
    a = jnp.concatenate([mean, mx, sm], axis=1)
    zi = jax.lax.dot_general(a, wi_ref[...], (((1,), (0,)), ((), ())),
                             precision=lax.Precision.HIGHEST,
                             preferred_element_type=jnp.float32)
    zs = jax.lax.dot_general(a, ws_ref[...], (((1,), (0,)), ((), ())),
                             precision=lax.Precision.HIGHEST,
                             preferred_element_type=jnp.float32)
    z = zi + scale * zs + b_ref[...]
    o_ref[...] = jnp.maximum(z, 0.0) * g_ref[...] + b2_ref[...]

  grid = NPAD // BLK
  return pl.pallas_call(
      body,
      grid=(grid,),
      in_specs=[
          pl.BlockSpec((BLK, D), lambda i: (i, 0)),
          pl.BlockSpec((BLK, D), lambda i: (i, 0)),
          pl.BlockSpec((BLK, 16), lambda i: (i, 0)),
          pl.BlockSpec((3 * D, U), lambda i: (0, 0)),
          pl.BlockSpec((3 * D, U), lambda i: (0, 0)),
          pl.BlockSpec((1, U), lambda i: (0, 0)),
          pl.BlockSpec((1, U), lambda i: (0, 0)),
          pl.BlockSpec((1, U), lambda i: (0, 0)),
      ],
      out_specs=pl.BlockSpec((BLK, U), lambda i: (i, 0)),
      out_shape=jax.ShapeDtypeStruct((NPAD, U), jnp.float32),
  )(sums, maxs, cnts, Wi, Ws, bias, g2, b2)


@jax.jit
def kernel(node_attributes, edge_indices, W, b, gamma, beta,
           moving_mean, moving_var):
  dst = edge_indices[:, 0].astype(jnp.int32)
  src = edge_indices[:, 1].astype(jnp.int32)

  osum, omax, ocnt = _sc_aggregate(node_attributes, dst, src)
  sums = osum.reshape(NPAD, D)
  maxs = omax.reshape(NPAD, D)
  cnts = ocnt.reshape(NPAD, 16)

  Wr = W.reshape(9, D, U)
  Wi = jnp.concatenate([Wr[0], Wr[3], Wr[6]], axis=0)
  Ws = jnp.concatenate([Wr[1] + Wr[2], Wr[4] + Wr[5], Wr[7] + Wr[8]], axis=0)
  g2 = gamma / jnp.sqrt(moving_var + 1e-3)
  b2 = beta - moving_mean * g2

  h = _tc_epilogue(sums, maxs, cnts, Wi, Ws,
                   b.reshape(1, U), g2.reshape(1, U), b2.reshape(1, U))
  return h[:N]

# --- scband reference (transcript-rebuilt; emitter-appended) ---
"""Pipeline reference for scband-contrastive-pnalayer-40381282517156 (READ-ONLY COPY).

The authoritative reference and input builder live on the scoring server;
editing this copy changes nothing except your own understanding.
"""

import jax, jax.numpy as jnp
import numpy as np

N = 10000
E = 320000
D = 128
UNITS = 128
NUM_FEATS = 9  # 3 aggregators x 3 scalers


def setup_inputs(seed: int = 0) -> dict:
    key = jax.random.key(seed)
    k1, k2, k3 = jax.random.split(key, 3)
    node_attributes = jax.random.normal(k1, (N, D), dtype=jnp.float32)
    edge_indices = jax.random.randint(k2, (E, 2), 0, N)
    W = jax.random.normal(k3, (NUM_FEATS * D, UNITS), dtype=jnp.float32) * (1.0 / np.sqrt(NUM_FEATS * D))
    b = jnp.zeros((UNITS,), dtype=jnp.float32)
    gamma = jnp.ones((UNITS,), dtype=jnp.float32)
    beta = jnp.zeros((UNITS,), dtype=jnp.float32)
    moving_mean = jnp.zeros((UNITS,), dtype=jnp.float32)
    moving_var = jnp.ones((UNITS,), dtype=jnp.float32)
    return {
        "node_attributes": node_attributes,
        "edge_indices": edge_indices,
        "W": W,
        "b": b,
        "gamma": gamma,
        "beta": beta,
        "moving_mean": moving_mean,
        "moving_var": moving_var,
    }


def reference(node_attributes, edge_indices, W, b, gamma, beta, moving_mean, moving_var):
    n_nodes = node_attributes.shape[0]
    dst = edge_indices[:, 0]  # receiving node (pooling index / degree index)
    src = edge_indices[:, 1]  # outgoing / sending node (GatherNodesOutgoing)

    # gather neighbor features
    neighbor_features = jnp.take(node_attributes, src, axis=0)  # [E, D]

    # node degrees = sum of one_hot(edge_indices[:,0]) == bincount of dst, clamped to >= 1
    counts = jax.ops.segment_sum(
        jnp.ones((neighbor_features.shape[0],), jnp.float32), dst, num_segments=n_nodes
    )
    deg = jnp.maximum(counts, 1.0)

    # aggregations (AggregateLocalEdges over dst)
    sum_agg = jax.ops.segment_sum(neighbor_features, dst, num_segments=n_nodes)
    mean_agg = sum_agg / deg[:, None]
    max_raw = jax.ops.segment_max(neighbor_features, dst, num_segments=n_nodes)
    max_agg = jnp.where(counts[:, None] > 0, max_raw, 0.0)

    # scalers: identity, amplification, attenuation (original code defines both as log10(d+1))
    scale = (jnp.log(deg + 1.0) / jnp.log(10.0))[:, None]

    feats = []
    for agg in (mean_agg, max_agg, sum_agg):  # aggregator order: mean, max, sum
        feats.append(agg)           # identity
        feats.append(agg * scale)   # amplification
        feats.append(agg * scale)   # attenuation (same formula in source)
    concatenated = jnp.concatenate(feats, axis=-1)  # [N, 9*D]

    # node MLP: single dense layer + relu
    h = jax.nn.relu(concatenated @ W + b)

    # GraphBatchNormalization (inference mode, keras eps=1e-3)
    h = (h - moving_mean) / jnp.sqrt(moving_var + 1e-3) * gamma + beta

    # dropout is identity in inference mode
    return h

if __name__ == "__main__":
    import jax
    _d = setup_inputs()
    print(jax.jit(kernel)(*tuple(_d.values())))

</pallas_src>

<mosaic_0001>
#map = affine_map<(d0, d1) -> (0, 0)>
#map1 = affine_map<(d0, d1) -> (0)>
module attributes {stable_mosaic.version = 14 : i64} {
  func.func @k(%arg0: i32, %arg1: i32, %arg2: memref<10000x128xf32, #tpu.memory_space<hbm>>, %arg3: memref<320000xi32, #tpu.memory_space<hbm>>, %arg4: memref<320000xi32, #tpu.memory_space<hbm>>, %arg5: memref<1310720xf32, #tpu.memory_space<hbm>>, %arg6: memref<1310720xf32, #tpu.memory_space<hbm>>, %arg7: memref<163840xf32, #tpu.memory_space<hbm>>, %arg8: memref<40192xf32, #tpu.memory_space<vmem>>, %arg9: memref<40192xf32, #tpu.memory_space<vmem>>, %arg10: memref<5024xf32, #tpu.memory_space<vmem>>, %arg11: memref<4000xi32, #tpu.memory_space<vmem>>, %arg12: memref<4000xi32, #tpu.memory_space<vmem>>, %arg13: memref<4000xi32, #tpu.memory_space<vmem>>, %arg14: memref<4016xi32, #tpu.memory_space<vmem>>, %arg15: memref<128x128xf32, #tpu.memory_space<vmem>>, %arg16: memref<4xi32, #tpu.memory_space<smem>>, %arg17: memref<!tpu.dma_semaphore, #tpu.memory_space<semaphore_mem>>) attributes {dimension_semantics = [#tpu.dimension_semantics<core_parallel>, #tpu.dimension_semantics<subcore_parallel>], iteration_bounds = array<i64: 2, 16>, scalar_prefetch = 0 : i64, scratch_operands = 10 : i64, tpu.core_type = #tpu.core_type<sc_vector_subcore>, window_params = [{transform_indices = #map}, {transform_indices = #map1}, {transform_indices = #map1}, {transform_indices = #map1}, {transform_indices = #map1}, {transform_indices = #map1}]} {
    %mul3A = arith.constant 2 : i32
    %mul3A_0 = arith.muli %arg1, %mul3A : i32
    %add3A = arith.addi %mul3A_0, %arg0 : i32
    %mul3A_1 = arith.constant 313 : i32
    %mul3A_2 = arith.muli %add3A, %mul3A_1 : i32
    %broadcast_in_dim3A = arith.constant 0.000000e+00 : f32
    %broadcast_in_dim3A_3 = vector.broadcast %broadcast_in_dim3A : f32 to vector<16xf32>
    %broadcast_in_dim3A_4 = arith.constant -3.000000e+38 : f32
    %broadcast_in_dim3A_5 = vector.broadcast %broadcast_in_dim3A_4 : f32 to vector<16xf32>
    %broadcast_in_dim3A_6 = arith.constant 1.000000e+00 : f32
    %broadcast_in_dim3A_7 = vector.broadcast %broadcast_in_dim3A_6 : f32 to vector<16xf32>
    %broadcast_in_dim3A_8 = arith.constant 0 : i32
    %broadcast_in_dim3A_9 = vector.broadcast %broadcast_in_dim3A_8 : i32 to vector<16xi32>
    %scan3A = arith.constant 0 : i32
    %scan3A_10 = arith.constant 2512 : i32
    %scan3A_11 = arith.addi %scan3A, %scan3A_10 : i32
    %scan3A_12 = arith.constant 1 : i32
    scf.for %scan3A_35 = %scan3A to %scan3A_11 step %scan3A_12  : i32 {
      %mul3A_36 = arith.constant 1 : i32
      %mul3A_37 = arith.muli %scan3A_35, %mul3A_36 : i32
      %add3A_38 = arith.constant 0 : i32
      %add3A_39 = arith.addi %add3A_38, %mul3A_37 : i32
      %mul3A_40 = arith.constant 16 : i32
      %mul3A_41 = arith.muli %add3A_39, %mul3A_40 : i32
      %swap3A = arith.index_cast %mul3A_41 : i32 to index
      %swap3A_42 = tpu.vector_load %arg8[%swap3A] {strides = array<i32>} : memref<40192xf32, #tpu.memory_space<vmem>>, vector<16xf32>,
      tpu.vector_store %arg8[%swap3A], %broadcast_in_dim3A_3 {strides = array<i32>} : memref<40192xf32, #tpu.memory_space<vmem>>, vector<16xf32>,
      %mul3A_43 = arith.constant 16 : i32
      %mul3A_44 = arith.muli %add3A_39, %mul3A_43 : i32
      %swap3A_45 = arith.index_cast %mul3A_44 : i32 to index
      %swap3A_46 = tpu.vector_load %arg9[%swap3A_45] {strides = array<i32>} : memref<40192xf32, #tpu.memory_space<vmem>>, vector<16xf32>,
      tpu.vector_store %arg9[%swap3A_45], %broadcast_in_dim3A_5 {strides = array<i32>} : memref<40192xf32, #tpu.memory_space<vmem>>, vector<16xf32>,
    }
    %scan3A_13 = arith.constant 2512 : i32
    %scan3A_14 = arith.constant 0 : i32
    %scan3A_15 = arith.constant 314 : i32
    %scan3A_16 = arith.addi %scan3A_14, %scan3A_15 : i32
    %scan3A_17 = arith.constant 1 : i32
    scf.for %scan3A_35 = %scan3A_14 to %scan3A_16 step %scan3A_17  : i32 {
      %mul3A_36 = arith.constant 1 : i32
      %mul3A_37 = arith.muli %scan3A_35, %mul3A_36 : i32
      %add3A_38 = arith.constant 0 : i32
      %add3A_39 = arith.addi %add3A_38, %mul3A_37 : i32
      %mul3A_40 = arith.constant 16 : i32
      %mul3A_41 = arith.muli %add3A_39, %mul3A_40 : i32
      %swap3A = arith.index_cast %mul3A_41 : i32 to index
      %swap3A_42 = tpu.vector_load %arg10[%swap3A] {strides = array<i32>} : memref<5024xf32, #tpu.memory_space<vmem>>, vector<16xf32>,
      tpu.vector_store %arg10[%swap3A], %broadcast_in_dim3A_3 {strides = array<i32>} : memref<5024xf32, #tpu.memory_space<vmem>>, vector<16xf32>,
    }
    %scan3A_18 = arith.constant 314 : i32
    %iota3A = tpu.iota {dimensions = array<i32: 0>} : vector<16xi32>
    %scan3A_19 = arith.constant 0 : i32
    %scan3A_20 = arith.constant 250 : i32
    %scan3A_21 = arith.addi %scan3A_19, %scan3A_20 : i32
    %scan3A_22 = arith.constant 1 : i32
    scf.for %scan3A_35 = %scan3A_19 to %scan3A_21 step %scan3A_22  : i32 {
      %mul3A_36 = arith.constant 1 : i32
      %mul3A_37 = arith.muli %scan3A_35, %mul3A_36 : i32
      %add3A_38 = arith.constant 0 : i32
      %add3A_39 = arith.addi %add3A_38, %mul3A_37 : i32
      %mul3A_40 = arith.constant 16 : i32
      %mul3A_41 = arith.muli %add3A_39, %mul3A_40 : i32
      %add3A_42 = vector.broadcast %mul3A_41 : i32 to vector<16xi32>
      %add3A_43 = arith.addi %iota3A, %add3A_42 : vector<16xi32>
      %mul3A_44 = arith.constant 16 : i32
      %mul3A_45 = arith.muli %add3A_39, %mul3A_44 : i32
      %swap3A = arith.index_cast %mul3A_45 : i32 to index
      %swap3A_46 = tpu.vector_load %arg13[%swap3A] {strides = array<i32>} : memref<4000xi32, #tpu.memory_space<vmem>>, vector<16xi32>,
      tpu.vector_store %arg13[%swap3A], %add3A_43 {strides = array<i32>} : memref<4000xi32, #tpu.memory_space<vmem>>, vector<16xi32>,
    }
    %scan3A_23 = arith.constant 250 : i32
    %scan3A_24 = arith.constant 0 : i32
    %scan3A_25 = arith.constant 80 : i32
    %scan3A_26 = arith.addi %scan3A_24, %scan3A_25 : i32
    %scan3A_27 = arith.constant 1 : i32
    scf.for %scan3A_35 = %scan3A_24 to %scan3A_26 step %scan3A_27  : i32 {
      %mul3A_36 = arith.constant 1 : i32
      %mul3A_37 = arith.muli %scan3A_35, %mul3A_36 : i32
      %add3A_38 = arith.constant 0 : i32
      %add3A_39 = arith.addi %add3A_38, %mul3A_37 : i32
      %mul3A_40 = arith.constant 4000 : i32
      %mul3A_41 = arith.muli %add3A_39, %mul3A_40 : i32
      "tpu.region"() ({
        %run_scoped3A = tpu.sem_alloc : memref<!tpu.dma_semaphore, #tpu.memory_space<semaphore_mem>>
        %dma_start3A = tpu.memref_slice %arg3[%mul3A_41] : memref<320000xi32, #tpu.memory_space<hbm>> -> memref<4000xi32, #tpu.memory_space<hbm>>
        %dma_start3A_85 = tpu.memref_slice %arg3[%mul3A_41] : memref<320000xi32, #tpu.memory_space<hbm>> -> memref<4000xi32, #tpu.memory_space<hbm>>
        tpu.enqueue_dma source(%dma_start3A_85 : memref<4000xi32, #tpu.memory_space<hbm>>) target(%arg11 : memref<4000xi32, #tpu.memory_space<vmem>>) target_semaphore(%run_scoped3A : memref<!tpu.dma_semaphore, #tpu.memory_space<semaphore_mem>>)
        %dma_wait3A = tpu.memref_slice %arg3[%mul3A_41] : memref<320000xi32, #tpu.memory_space<hbm>> -> memref<4000xi32, #tpu.memory_space<hbm>>
        %dma_wait3A_86 = tpu.memref_slice %arg3[%mul3A_41] : memref<320000xi32, #tpu.memory_space<hbm>> -> memref<4000xi32, #tpu.memory_space<hbm>>
        tpu.wait_dma2 semaphore(%run_scoped3A : memref<!tpu.dma_semaphore, #tpu.memory_space<semaphore_mem>>) src(%dma_wait3A_86 : memref<4000xi32, #tpu.memory_space<hbm>>) dst(%arg11 : memref<4000xi32, #tpu.memory_space<vmem>>)
        tpu.yield
      }) : () -> ()
      %mul3A_42 = arith.constant 4000 : i32
      %mul3A_43 = arith.muli %add3A_39, %mul3A_42 : i32
      "tpu.region"() ({
        %run_scoped3A = tpu.sem_alloc : memref<!tpu.dma_semaphore, #tpu.memory_space<semaphore_mem>>
        %dma_start3A = tpu.memref_slice %arg4[%mul3A_43] : memref<320000xi32, #tpu.memory_space<hbm>> -> memref<4000xi32, #tpu.memory_space<hbm>>
        %dma_start3A_85 = tpu.memref_slice %arg4[%mul3A_43] : memref<320000xi32, #tpu.memory_space<hbm>> -> memref<4000xi32, #tpu.memory_space<hbm>>
        tpu.enqueue_dma source(%dma_start3A_85 : memref<4000xi32, #tpu.memory_space<hbm>>) target(%arg12 : memref<4000xi32, #tpu.memory_space<vmem>>) target_semaphore(%run_scoped3A : memref<!tpu.dma_semaphore, #tpu.memory_space<semaphore_mem>>)
        %dma_wait3A = tpu.memref_slice %arg4[%mul3A_43] : memref<320000xi32, #tpu.memory_space<hbm>> -> memref<4000xi32, #tpu.memory_space<hbm>>
        %dma_wait3A_86 = tpu.memref_slice %arg4[%mul3A_43] : memref<320000xi32, #tpu.memory_space<hbm>> -> memref<4000xi32, #tpu.memory_space<hbm>>
        tpu.wait_dma2 semaphore(%run_scoped3A : memref<!tpu.dma_semaphore, #tpu.memory_space<semaphore_mem>>) src(%dma_wait3A_86 : memref<4000xi32, #tpu.memory_space<hbm>>) dst(%arg12 : memref<4000xi32, #tpu.memory_space<vmem>>)
        tpu.yield
      }) : () -> ()
      %swap3A = arith.constant 0 : i32
      %swap3A_44 = arith.constant 0 : i32
      %swap3A_45 = arith.index_cast %swap3A_44 : i32 to index
      %swap3A_46 = memref.load %arg16[%swap3A_45] : memref<4xi32, #tpu.memory_space<smem>>
      memref.store %swap3A, %arg16[%swap3A_45] : memref<4xi32, #tpu.memory_space<smem>>
      %scan3A_47 = arith.constant 0 : i32
      %scan3A_48 = arith.constant 250 : i32
      %scan3A_49 = arith.addi %scan3A_47, %scan3A_48 : i32
      %scan3A_50 = arith.constant 1 : i32
      scf.for %scan3A_85 = %scan3A_47 to %scan3A_49 step %scan3A_50  : i32 {
        %mul3A_86 = arith.constant 1 : i32
        %mul3A_87 = arith.muli %scan3A_85, %mul3A_86 : i32
        %add3A_88 = arith.constant 0 : i32
        %add3A_89 = arith.addi %add3A_88, %mul3A_87 : i32
        %mul3A_90 = arith.constant 16 : i32
        %mul3A_91 = arith.muli %add3A_89, %mul3A_90 : i32
        %get3A_92 = arith.index_cast %mul3A_91 : i32 to index
        %get3A_93 = tpu.vector_load %arg11[%get3A_92] {strides = array<i32>} : memref<4000xi32, #tpu.memory_space<vmem>>, vector<16xi32>,
        %sub3A_94 = vector.broadcast %mul3A_2 : i32 to vector<16xi32>
        %sub3A_95 = arith.subi %get3A_93, %sub3A_94 : vector<16xi32>
        %ge3A = arith.constant 0 : i32
        %ge3A_96 = vector.broadcast %ge3A : i32 to vector<16xi32>
        %ge3A_97 = arith.cmpi sge, %sub3A_95, %ge3A_96 : vector<16xi32>
        %lt3A = arith.constant 313 : i32
        %lt3A_98 = vector.broadcast %lt3A : i32 to vector<16xi32>
        %lt3A_99 = arith.cmpi slt, %sub3A_95, %lt3A_98 : vector<16xi32>
        %and3A_100 = arith.andi %ge3A_97, %lt3A_99 : vector<16xi1>
        %get3A_101 = arith.constant 0 : i32
        %get3A_102 = arith.index_cast %get3A_101 : i32 to index
        %get3A_103 = memref.load %arg16[%get3A_102] : memref<4xi32, #tpu.memory_space<smem>>
        %mul3A_104 = arith.constant 16 : i32
        %mul3A_105 = arith.muli %add3A_89, %mul3A_104 : i32
        %get3A_106 = arith.index_cast %mul3A_105 : i32 to index
        %get3A_107 = tpu.vector_load %arg12[%get3A_106] {strides = array<i32>} : memref<4000xi32, #tpu.memory_space<vmem>>, vector<16xi32>,
        %swap3A_108 = arith.index_cast %get3A_103 : i32 to index
        %swap3A_109 = tpu.vector_load %arg13[%swap3A_108] masked %and3A_100 {strides = array<i32>} : memref<4000xi32, #tpu.memory_space<vmem>>, vector<16xi32>, vector<16xi1>
        tpu.vector_store %arg13[%swap3A_108], %get3A_107 masked %and3A_100 {strides = array<i32>} : memref<4000xi32, #tpu.memory_space<vmem>>, vector<16xi32>, vector<16xi1>
        %swap3A_110 = arith.index_cast %get3A_103 : i32 to index
        %swap3A_111 = tpu.vector_load %arg14[%swap3A_110] masked %and3A_100 {strides = array<i32>} : memref<4016xi32, #tpu.memory_space<vmem>>, vector<16xi32>, vector<16xi1>
        tpu.vector_store %arg14[%swap3A_110], %sub3A_95 masked %and3A_100 {strides = array<i32>} : memref<4016xi32, #tpu.memory_space<vmem>>, vector<16xi32>, vector<16xi1>
        %convert_element_type3A = arith.extui %and3A_100 : vector<16xi1> to vector<16xi32>
        %reduce_sum3A = arith.constant true
        %reduce_sum3A_112 = vector.broadcast %reduce_sum3A : i1 to vector<16xi1>
        %reduce_sum3A_113 = tpu.scan <sum>, %convert_element_type3A masked %reduce_sum3A_112 : vector<16xi32>, vector<16xi1> -> vector<16xi32>
        %reduce_sum3A_114 = vector.extract %reduce_sum3A_113[15] : i32 from vector<16xi32>
        %add3A_115 = arith.addi %get3A_103, %reduce_sum3A_114 : i32
        %swap3A_116 = arith.constant 0 : i32
        %swap3A_117 = arith.index_cast %swap3A_116 : i32 to index
        %swap3A_118 = memref.load %arg16[%swap3A_117] : memref<4xi32, #tpu.memory_space<smem>>
        memref.store %add3A_115, %arg16[%swap3A_117] : memref<4xi32, #tpu.memory_space<smem>>
      }
      %scan3A_51 = arith.constant 250 : i32
      %get3A = arith.constant 0 : i32
      %get3A_52 = arith.index_cast %get3A : i32 to index
      %get3A_53 = memref.load %arg16[%get3A_52] : memref<4xi32, #tpu.memory_space<smem>>
      %add3A_54 = arith.constant 128 : i32
      %add3A_55 = arith.addi %get3A_53, %add3A_54 : i32
      %sub3A = arith.constant 1 : i32
      %sub3A_56 = arith.subi %add3A_55, %sub3A : i32
      %jit3A = arith.constant 128 : i32
      %div3A = arith.divsi %sub3A_56, %jit3A : i32
      %sign3A = arith.constant 0 : i32
      %sign3A_57 = arith.cmpi sgt, %sub3A_56, %sign3A : i32
      %sign3A_58 = arith.extui %sign3A_57 : i1 to i32
      %sign3A_59 = arith.constant 0 : i32
      %sign3A_60 = arith.cmpi slt, %sub3A_56, %sign3A_59 : i32
      %sign3A_61 = arith.extui %sign3A_60 : i1 to i32
      %sign3A_62 = arith.subi %sign3A_58, %sign3A_61 : i32
      %sign3A_63 = arith.constant 0 : i32
      %sign3A_64 = arith.cmpi sgt, %jit3A, %sign3A_63 : i32
      %sign3A_65 = arith.extui %sign3A_64 : i1 to i32
      %sign3A_66 = arith.constant 0 : i32
      %sign3A_67 = arith.cmpi slt, %jit3A, %sign3A_66 : i32
      %sign3A_68 = arith.extui %sign3A_67 : i1 to i32
      %sign3A_69 = arith.subi %sign3A_65, %sign3A_68 : i32
      %ne3A = arith.cmpi ne, %sign3A_62, %sign3A_69 : i32
      %rem3A = arith.remsi %sub3A_56, %jit3A : i32
      %ne3A_70 = arith.constant 0 : i32
      %ne3A_71 = arith.cmpi ne, %rem3A, %ne3A_70 : i32
      %and3A = arith.andi %ne3A, %ne3A_71 : i1
      %sub3A_72 = arith.constant 1 : i32
      %sub3A_73 = arith.subi %div3A, %sub3A_72 : i32
      %select_n3A = arith.select %and3A, %sub3A_73, %div3A : i32
      %while3A = arith.constant 0 : i32
      %while3A_74 = arith.constant 0 : i32
      %while3A_75 = arith.subi %select_n3A, %while3A : i32
      %while3A_76 = arith.addi %while3A, %while3A_75 : i32
      %while3A_77 = arith.constant 1 : i32
      %while3A_78 = arith.divsi %while3A_75, %while3A_77 : i32
      %while3A_79 = arith.muli %while3A_78, %while3A_77 : i32
      %while3A_80 = arith.addi %while3A, %while3A_79 : i32
      %while3A_81 = arith.constant 1 : i32
      %while3A_82 = scf.for %while3A_85 = %while3A to %while3A_80 step %while3A_81 iter_args(%while3A_86 = %while3A_74) -> (i32)  : i32 {
        %mul3A_87 = arith.constant 128 : i32
        %mul3A_88 = arith.muli %while3A_85, %mul3A_87 : i32
        %sub3A_89 = arith.subi %get3A_53, %mul3A_88 : i32
        %add3A_90 = arith.constant 8 : i32
        %add3A_91 = arith.addi %sub3A_89, %add3A_90 : i32
        %sub3A_92 = arith.constant 1 : i32
        %sub3A_93 = arith.subi %add3A_91, %sub3A_92 : i32
        %jit3A_94 = arith.constant 8 : i32
        %div3A_95 = arith.divsi %sub3A_93, %jit3A_94 : i32
        %sign3A_96 = arith.constant 0 : i32
        %sign3A_97 = arith.cmpi sgt, %sub3A_93, %sign3A_96 : i32
        %sign3A_98 = arith.extui %sign3A_97 : i1 to i32
        %sign3A_99 = arith.constant 0 : i32
        %sign3A_100 = arith.cmpi slt, %sub3A_93, %sign3A_99 : i32
        %sign3A_101 = arith.extui %sign3A_100 : i1 to i32
        %sign3A_102 = arith.subi %sign3A_98, %sign3A_101 : i32
        %sign3A_103 = arith.constant 0 : i32
        %sign3A_104 = arith.cmpi sgt, %jit3A_94, %sign3A_103 : i32
        %sign3A_105 = arith.extui %sign3A_104 : i1 to i32
        %sign3A_106 = arith.constant 0 : i32
        %sign3A_107 = arith.cmpi slt, %jit3A_94, %sign3A_106 : i32
        %sign3A_108 = arith.extui %sign3A_107 : i1 to i32
        %sign3A_109 = arith.subi %sign3A_105, %sign3A_108 : i32
        %ne3A_110 = arith.cmpi ne, %sign3A_102, %sign3A_109 : i32
        %rem3A_111 = arith.remsi %sub3A_93, %jit3A_94 : i32
        %ne3A_112 = arith.constant 0 : i32
        %ne3A_113 = arith.cmpi ne, %rem3A_111, %ne3A_112 : i32
        %and3A_114 = arith.andi %ne3A_110, %ne3A_113 : i1
        %sub3A_115 = arith.constant 1 : i32
        %sub3A_116 = arith.subi %div3A_95, %sub3A_115 : i32
        %select_n3A_117 = arith.select %and3A_114, %sub3A_116, %div3A_95 : i32
        %min3A = arith.constant 16 : i32
        %min3A_118 = arith.minsi %select_n3A_117, %min3A : i32
        %while3A_119 = arith.constant 0 : i32
        %while3A_120 = arith.constant 0 : i32
        %while3A_121 = arith.subi %min3A_118, %while3A_119 : i32
        %while3A_122 = arith.addi %while3A_119, %while3A_121 : i32
        %while3A_123 = arith.constant 1 : i32
        %while3A_124 = arith.divsi %while3A_121, %while3A_123 : i32
        %while3A_125 = arith.muli %while3A_124, %while3A_123 : i32
        %while3A_126 = arith.addi %while3A_119, %while3A_125 : i32
        %while3A_127 = arith.constant 1 : i32
        %while3A_128 = scf.for %while3A_159 = %while3A_119 to %while3A_126 step %while3A_127 iter_args(%while3A_160 = %while3A_120) -> (i32)  : i32 {
          %mul3A_161 = arith.constant 8 : i32
          %mul3A_162 = arith.muli %while3A_159, %mul3A_161 : i32
          %add3A_163 = arith.addi %mul3A_88, %mul3A_162 : i32
          %mul3A_164 = arith.constant 8 : i32
          %mul3A_165 = arith.muli %while3A_159, %mul3A_164 : i32
          %dma_start3A = arith.constant 0 : i32
          %dma_start3A_166 = tpu.memref_slice %arg15[%mul3A_165, %dma_start3A] : memref<128x128xf32, #tpu.memory_space<vmem>> -> memref<8x128xf32, #tpu.memory_space<vmem>>
          %dma_start3A_167 = tpu.memref_slice %arg13[%add3A_163] : memref<4000xi32, #tpu.memory_space<vmem>> -> memref<8xi32, #tpu.memory_space<vmem>>
          %dma_start3A_168 = arith.constant 0 : i32
          %dma_start3A_169 = arith.constant 0 : i32
          %dma_start3A_170 = tpu.memref_slice %arg2[%dma_start3A_168, %dma_start3A_169] : memref<10000x128xf32, #tpu.memory_space<hbm>> -> memref<10000x128xf32, #tpu.memory_space<hbm>>
          tpu.enqueue_indirect_dma source(%dma_start3A_170 : memref<10000x128xf32, #tpu.memory_space<hbm>>) target(%dma_start3A_166 : memref<8x128xf32, #tpu.memory_space<vmem>>) offsets(%dma_start3A_167 : memref<8xi32, #tpu.memory_space<vmem>>) semaphore(%arg17 : memref<!tpu.dma_semaphore, #tpu.memory_space<semaphore_mem>>)
          %while3A_171 = arith.constant 0 : i32
          scf.yield %while3A_171 : i32
        }
        %while3A_129 = arith.constant 1 : i32
        %while3A_130 = scf.for %while3A_159 = %while3A_126 to %while3A_122 step %while3A_129 iter_args(%while3A_160 = %while3A_128) -> (i32)  : i32 {
          %mul3A_161 = arith.constant 8 : i32
          %mul3A_162 = arith.muli %while3A_159, %mul3A_161 : i32
          %add3A_163 = arith.addi %mul3A_88, %mul3A_162 : i32
          %mul3A_164 = arith.constant 8 : i32
          %mul3A_165 = arith.muli %while3A_159, %mul3A_164 : i32
          %dma_start3A = arith.constant 0 : i32
          %dma_start3A_166 = tpu.memref_slice %arg15[%mul3A_165, %dma_start3A] : memref<128x128xf32, #tpu.memory_space<vmem>> -> memref<8x128xf32, #tpu.memory_space<vmem>>
          %dma_start3A_167 = tpu.memref_slice %arg13[%add3A_163] : memref<4000xi32, #tpu.memory_space<vmem>> -> memref<8xi32, #tpu.memory_space<vmem>>
          %dma_start3A_168 = arith.constant 0 : i32
          %dma_start3A_169 = arith.constant 0 : i32
          %dma_start3A_170 = tpu.memref_slice %arg2[%dma_start3A_168, %dma_start3A_169] : memref<10000x128xf32, #tpu.memory_space<hbm>> -> memref<10000x128xf32, #tpu.memory_space<hbm>>
          tpu.enqueue_indirect_dma source(%dma_start3A_170 : memref<10000x128xf32, #tpu.memory_space<hbm>>) target(%dma_start3A_166 : memref<8x128xf32, #tpu.memory_space<vmem>>) offsets(%dma_start3A_167 : memref<8xi32, #tpu.memory_space<vmem>>) semaphore(%arg17 : memref<!tpu.dma_semaphore, #tpu.memory_space<semaphore_mem>>)
          %while3A_171 = arith.constant 0 : i32
          scf.yield %while3A_171 : i32
        }
        %while3A_131 = arith.constant 0 : i32
        %while3A_132 = arith.constant 0 : i32
        %while3A_133 = arith.subi %min3A_118, %while3A_131 : i32
        %while3A_134 = arith.addi %while3A_131, %while3A_133 : i32
        %while3A_135 = arith.constant 1 : i32
        %while3A_136 = arith.divsi %while3A_133, %while3A_135 : i32
        %while3A_137 = arith.muli %while3A_136, %while3A_135 : i32
        %while3A_138 = arith.addi %while3A_131, %while3A_137 : i32
        %while3A_139 = arith.constant 1 : i32
        %while3A_140 = scf.for %while3A_159 = %while3A_131 to %while3A_138 step %while3A_139 iter_args(%while3A_160 = %while3A_132) -> (i32)  : i32 {
          %mul3A_161 = arith.constant 8 : i32
          %mul3A_162 = arith.muli %while3A_159, %mul3A_161 : i32
          %dma_wait3A = arith.constant 0 : i32
          %dma_wait3A_163 = tpu.memref_slice %arg15[%mul3A_162, %dma_wait3A] : memref<128x128xf32, #tpu.memory_space<vmem>> -> memref<8x128xf32, #tpu.memory_space<vmem>>
          %dma_wait3A_164 = arith.constant 0 : i32
          %dma_wait3A_165 = arith.constant 0 : i32
          %dma_wait3A_166 = tpu.memref_slice %arg2[%dma_wait3A_164, %dma_wait3A_165] : memref<10000x128xf32, #tpu.memory_space<hbm>> -> memref<8x128xf32, #tpu.memory_space<hbm>>
          %dma_wait3A_167 = arith.constant 0 : i32
          %dma_wait3A_168 = tpu.memref_slice %arg15[%mul3A_162, %dma_wait3A_167] : memref<128x128xf32, #tpu.memory_space<vmem>> -> memref<8x128xf32, #tpu.memory_space<vmem>>
          %dma_wait3A_169 = arith.constant 0 : i32
          %dma_wait3A_170 = arith.constant 0 : i32
          %dma_wait3A_171 = tpu.memref_slice %arg2[%dma_wait3A_169, %dma_wait3A_170] : memref<10000x128xf32, #tpu.memory_space<hbm>> -> memref<8x128xf32, #tpu.memory_space<hbm>>
          tpu.wait_dma2 semaphore(%arg17 : memref<!tpu.dma_semaphore, #tpu.memory_space<semaphore_mem>>) src(%dma_wait3A_171 : memref<8x128xf32, #tpu.memory_space<hbm>>) dst(%dma_wait3A_168 : memref<8x128xf32, #tpu.memory_space<vmem>>)
          %while3A_172 = arith.constant 0 : i32
          scf.yield %while3A_172 : i32
        }
        %while3A_141 = arith.constant 1 : i32
        %while3A_142 = scf.for %while3A_159 = %while3A_138 to %while3A_134 step %while3A_141 iter_args(%while3A_160 = %while3A_140) -> (i32)  : i32 {
          %mul3A_161 = arith.constant 8 : i32
          %mul3A_162 = arith.muli %while3A_159, %mul3A_161 : i32
          %dma_wait3A = arith.constant 0 : i32
          %dma_wait3A_163 = tpu.memref_slice %arg15[%mul3A_162, %dma_wait3A] : memref<128x128xf32, #tpu.memory_space<vmem>> -> memref<8x128xf32, #tpu.memory_space<vmem>>
          %dma_wait3A_164 = arith.constant 0 : i32
          %dma_wait3A_165 = arith.constant 0 : i32
          %dma_wait3A_166 = tpu.memref_slice %arg2[%dma_wait3A_164, %dma_wait3A_165] : memref<10000x128xf32, #tpu.memory_space<hbm>> -> memref<8x128xf32, #tpu.memory_space<hbm>>
          %dma_wait3A_167 = arith.constant 0 : i32
          %dma_wait3A_168 = tpu.memref_slice %arg15[%mul3A_162, %dma_wait3A_167] : memref<128x128xf32, #tpu.memory_space<vmem>> -> memref<8x128xf32, #tpu.memory_space<vmem>>
          %dma_wait3A_169 = arith.constant 0 : i32
          %dma_wait3A_170 = arith.constant 0 : i32
          %dma_wait3A_171 = tpu.memref_slice %arg2[%dma_wait3A_169, %dma_wait3A_170] : memref<10000x128xf32, #tpu.memory_space<hbm>> -> memref<8x128xf32, #tpu.memory_space<hbm>>
          tpu.wait_dma2 semaphore(%arg17 : memref<!tpu.dma_semaphore, #tpu.memory_space<semaphore_mem>>) src(%dma_wait3A_171 : memref<8x128xf32, #tpu.memory_space<hbm>>) dst(%dma_wait3A_168 : memref<8x128xf32, #tpu.memory_space<vmem>>)
          %while3A_172 = arith.constant 0 : i32
          scf.yield %while3A_172 : i32
        }
        %sub3A_143 = arith.subi %get3A_53, %mul3A_88 : i32
        %min3A_144 = arith.constant 128 : i32
        %min3A_145 = arith.minsi %sub3A_143, %min3A_144 : i32
        %while3A_146 = arith.constant 0 : i32
        %while3A_147 = arith.constant 0 : i32
        %while3A_148 = arith.subi %min3A_145, %while3A_146 : i32
        %while3A_149 = arith.addi %while3A_146, %while3A_148 : i32
        %while3A_150 = arith.constant 1 : i32
        %while3A_151 = arith.divsi %while3A_148, %while3A_150 : i32
        %while3A_152 = arith.muli %while3A_151, %while3A_150 : i32
        %while3A_153 = arith.addi %while3A_146, %while3A_152 : i32
        %while3A_154 = arith.constant 1 : i32
        %while3A_155 = scf.for %while3A_159 = %while3A_146 to %while3A_153 step %while3A_154 iter_args(%while3A_160 = %while3A_147) -> (i32)  : i32 {
          %add3A_161 = arith.addi %mul3A_88, %while3A_159 : i32
          %get3A_162 = arith.index_cast %add3A_161 : i32 to index
          %get3A_163 = tpu.vector_load %arg14[%get3A_162] {strides = array<i32>} : memref<4016xi32, #tpu.memory_space<vmem>>, vector<16xi32>,
          %slice3A = vector.extract_strided_slice %get3A_163 {offsets = [0], sizes = [1], strides = [1]} : vector<16xi32> to vector<1xi32>
          %squeeze3A = vector.extract %slice3A[0] : i32 from vector<1xi32>
          %mul3A_164 = arith.constant 128 : i32
          %mul3A_165 = arith.muli %squeeze3A, %mul3A_164 : i32
          %get3A_166 = arith.index_cast %while3A_159 : i32 to index
          %get3A_167 = arith.constant 0 : index
          %get3A_168 = tpu.vector_load %arg15[%get3A_166, %get3A_167] {strides = array<i32>} : memref<128x128xf32, #tpu.memory_space<vmem>>, vector<16xf32>,
          %add3A_169 = arith.constant 0 : i32
          %add3A_170 = arith.addi %mul3A_165, %add3A_169 : i32
          %swap3A_171 = arith.index_cast %add3A_170 : i32 to index
          %swap3A_172 = tpu.vector_load %arg8[%swap3A_171] {strides = array<i32>} : memref<40192xf32, #tpu.memory_space<vmem>>, vector<16xf32>,
          tpu.vector_store %arg8[%swap3A_171], %get3A_168 {add = true, strides = array<i32>} : memref<40192xf32, #tpu.memory_space<vmem>>, vector<16xf32>,
          %add3A_173 = arith.constant 0 : i32
          %add3A_174 = arith.addi %mul3A_165, %add3A_173 : i32
          %get3A_175 = arith.index_cast %add3A_174 : i32 to index
          %get3A_176 = tpu.vector_load %arg9[%get3A_175] {strides = array<i32>} : memref<40192xf32, #tpu.memory_space<vmem>>, vector<16xf32>,
          %max3A = arith.maximumf %get3A_176, %get3A_168 : vector<16xf32>
          %add3A_177 = arith.constant 0 : i32
          %add3A_178 = arith.addi %mul3A_165, %add3A_177 : i32
          %swap3A_179 = arith.index_cast %add3A_178 : i32 to index
          %swap3A_180 = tpu.vector_load %arg9[%swap3A_179] {strides = array<i32>} : memref<40192xf32, #tpu.memory_space<vmem>>, vector<16xf32>,
          tpu.vector_store %arg9[%swap3A_179], %max3A {strides = array<i32>} : memref<40192xf32, #tpu.memory_space<vmem>>, vector<16xf32>,
          %get3A_181 = arith.index_cast %while3A_159 : i32 to index
          %get3A_182 = arith.constant 16 : index
          %get3A_183 = tpu.vector_load %arg15[%get3A_181, %get3A_182] {strides = array<i32>} : memref<128x128xf32, #tpu.memory_space<vmem>>, vector<16xf32>,
          %add3A_184 = arith.constant 16 : i32
          %add3A_185 = arith.addi %mul3A_165, %add3A_184 : i32
          %swap3A_186 = arith.index_cast %add3A_185 : i32 to index
          %swap3A_187 = tpu.vector_load %arg8[%swap3A_186] {strides = array<i32>} : memref<40192xf32, #tpu.memory_space<vmem>>, vector<16xf32>,
          tpu.vector_store %arg8[%swap3A_186], %get3A_183 {add = true, strides = array<i32>} : memref<40192xf32, #tpu.memory_space<vmem>>, vector<16xf32>,
          %add3A_188 = arith.constant 16 : i32
          %add3A_189 = arith.addi %mul3A_165, %add3A_188 : i32
          %get3A_190 = arith.index_cast %add3A_189 : i32 to index
          %get3A_191 = tpu.vector_load %arg9[%get3A_190] {strides = array<i32>} : memref<40192xf32, #tpu.memory_space<vmem>>, vector<16xf32>,
          %max3A_192 = arith.maximumf %get3A_191, %get3A_183 : vector<16xf32>
          %add3A_193 = arith.constant 16 : i32
          %add3A_194 = arith.addi %mul3A_165, %add3A_193 : i32
          %swap3A_195 = arith.index_cast %add3A_194 : i32 to index
          %swap3A_196 = tpu.vector_load %arg9[%swap3A_195] {strides = array<i32>} : memref<40192xf32, #tpu.memory_space<vmem>>, vector<16xf32>,
          tpu.vector_store %arg9[%swap3A_195], %max3A_192 {strides = array<i32>} : memref<40192xf32, #tpu.memory_space<vmem>>, vector<16xf32>,
          %get3A_197 = arith.index_cast %while3A_159 : i32 to index
          %get3A_198 = arith.constant 32 : index
          %get3A_199 = tpu.vector_load %arg15[%get3A_197, %get3A_198] {strides = array<i32>} : memref<128x128xf32, #tpu.memory_space<vmem>>, vector<16xf32>,
          %add3A_200 = arith.constant 32 : i32
          %add3A_201 = arith.addi %mul3A_165, %add3A_200 : i32
          %swap3A_202 = arith.index_cast %add3A_201 : i32 to index
          %swap3A_203 = tpu.vector_load %arg8[%swap3A_202] {strides = array<i32>} : memref<40192xf32, #tpu.memory_space<vmem>>, vector<16xf32>,
          tpu.vector_store %arg8[%swap3A_202], %get3A_199 {add = true, strides = array<i32>} : memref<40192xf32, #tpu.memory_space<vmem>>, vector<16xf32>,
          %add3A_204 = arith.constant 32 : i32
          %add3A_205 = arith.addi %mul3A_165, %add3A_204 : i32
          %get3A_206 = arith.index_cast %add3A_205 : i32 to index
          %get3A_207 = tpu.vector_load %arg9[%get3A_206] {strides = array<i32>} : memref<40192xf32, #tpu.memory_space<vmem>>, vector<16xf32>,
          %max3A_208 = arith.maximumf %get3A_207, %get3A_199 : vector<16xf32>
          %add3A_209 = arith.constant 32 : i32
          %add3A_210 = arith.addi %mul3A_165, %add3A_209 : i32
          %swap3A_211 = arith.index_cast %add3A_210 : i32 to index
          %swap3A_212 = tpu.vector_load %arg9[%swap3A_211] {strides = array<i32>} : memref<40192xf32, #tpu.memory_space<vmem>>, vector<16xf32>,
          tpu.vector_store %arg9[%swap3A_211], %max3A_208 {strides = array<i32>} : memref<40192xf32, #tpu.memory_space<vmem>>, vector<16xf32>,
          %get3A_213 = arith.index_cast %while3A_159 : i32 to index
          %get3A_214 = arith.constant 48 : index
          %get3A_215 = tpu.vector_load %arg15[%get3A_213, %get3A_214] {strides = array<i32>} : memref<128x128xf32, #tpu.memory_space<vmem>>, vector<16xf32>,
          %add3A_216 = arith.constant 48 : i32
          %add3A_217 = arith.addi %mul3A_165, %add3A_216 : i32
          %swap3A_218 = arith.index_cast %add3A_217 : i32 to index
          %swap3A_219 = tpu.vector_load %arg8[%swap3A_218] {strides = array<i32>} : memref<40192xf32, #tpu.memory_space<vmem>>, vector<16xf32>,
          tpu.vector_store %arg8[%swap3A_218], %get3A_215 {add = true, strides = array<i32>} : memref<40192xf32, #tpu.memory_space<vmem>>, vector<16xf32>,
          %add3A_220 = arith.constant 48 : i32
          %add3A_221 = arith.addi %mul3A_165, %add3A_220 : i32
          %get3A_222 = arith.index_cast %add3A_221 : i32 to index
          %get3A_223 = tpu.vector_load %arg9[%get3A_222] {strides = array<i32>} : memref<40192xf32, #tpu.memory_space<vmem>>, vector<16xf32>,
          %max3A_224 = arith.maximumf %get3A_223, %get3A_215 : vector<16xf32>
          %add3A_225 = arith.constant 48 : i32
          %add3A_226 = arith.addi %mul3A_165, %add3A_225 : i32
          %swap3A_227 = arith.index_cast %add3A_226 : i32 to index
          %swap3A_228 = tpu.vector_load %arg9[%swap3A_227] {strides = array<i32>} : memref<40192xf32, #tpu.memory_space<vmem>>, vector<16xf32>,
          tpu.vector_store %arg9[%swap3A_227], %max3A_224 {strides = array<i32>} : memref<40192xf32, #tpu.memory_space<vmem>>, vector<16xf32>,
          %get3A_229 = arith.index_cast %while3A_159 : i32 to index
          %get3A_230 = arith.constant 64 : index
          %get3A_231 = tpu.vector_load %arg15[%get3A_229, %get3A_230] {strides = array<i32>} : memref<128x128xf32, #tpu.memory_space<vmem>>, vector<16xf32>,
          %add3A_232 = arith.constant 64 : i32
          %add3A_233 = arith.addi %mul3A_165, %add3A_232 : i32
          %swap3A_234 = arith.index_cast %add3A_233 : i32 to index
          %swap3A_235 = tpu.vector_load %arg8[%swap3A_234] {strides = array<i32>} : memref<40192xf32, #tpu.memory_space<vmem>>, vector<16xf32>,
          tpu.vector_store %arg8[%swap3A_234], %get3A_231 {add = true, strides = array<i32>} : memref<40192xf32, #tpu.memory_space<vmem>>, vector<16xf32>,
          %add3A_236 = arith.constant 64 : i32
          %add3A_237 = arith.addi %mul3A_165, %add3A_236 : i32
          %get3A_238 = arith.index_cast %add3A_237 : i32 to index
          %get3A_239 = tpu.vector_load %arg9[%get3A_238] {strides = array<i32>} : memref<40192xf32, #tpu.memory_space<vmem>>, vector<16xf32>,
          %max3A_240 = arith.maximumf %get3A_239, %get3A_231 : vector<16xf32>
          %add3A_241 = arith.constant 64 : i32
          %add3A_242 = arith.addi %mul3A_165, %add3A_241 : i32
          %swap3A_243 = arith.index_cast %add3A_242 : i32 to index
          %swap3A_244 = tpu.vector_load %arg9[%swap3A_243] {strides = array<i32>} : memref<40192xf32, #tpu.memory_space<vmem>>, vector<16xf32>,
          tpu.vector_store %arg9[%swap3A_243], %max3A_240 {strides = array<i32>} : memref<40192xf32, #tpu.memory_space<vmem>>, vector<16xf32>,
          %get3A_245 = arith.index_cast %while3A_159 : i32 to index
          %get3A_246 = arith.constant 80 : index
          %get3A_247 = tpu.vector_load %arg15[%get3A_245, %get3A_246] {strides = array<i32>} : memref<128x128xf32, #tpu.memory_space<vmem>>, vector<16xf32>,
          %add3A_248 = arith.constant 80 : i32
          %add3A_249 = arith.addi %mul3A_165, %add3A_248 : i32
          %swap3A_250 = arith.index_cast %add3A_249 : i32 to index
          %swap3A_251 = tpu.vector_load %arg8[%swap3A_250] {strides = array<i32>} : memref<40192xf32, #tpu.memory_space<vmem>>, vector<16xf32>,
          tpu.vector_store %arg8[%swap3A_250], %get3A_247 {add = true, strides = array<i32>} : memref<40192xf32, #tpu.memory_space<vmem>>, vector<16xf32>,
          %add3A_252 = arith.constant 80 : i32
          %add3A_253 = arith.addi %mul3A_165, %add3A_252 : i32
          %get3A_254 = arith.index_cast %add3A_253 : i32 to index
          %get3A_255 = tpu.vector_load %arg9[%get3A_254] {strides = array<i32>} : memref<40192xf32, #tpu.memory_space<vmem>>, vector<16xf32>,
          %max3A_256 = arith.maximumf %get3A_255, %get3A_247 : vector<16xf32>
          %add3A_257 = arith.constant 80 : i32
          %add3A_258 = arith.addi %mul3A_165, %add3A_257 : i32
          %swap3A_259 = arith.index_cast %add3A_258 : i32 to index
          %swap3A_260 = tpu.vector_load %arg9[%swap3A_259] {strides = array<i32>} : memref<40192xf32, #tpu.memory_space<vmem>>, vector<16xf32>,
          tpu.vector_store %arg9[%swap3A_259], %max3A_256 {strides = array<i32>} : memref<40192xf32, #tpu.memory_space<vmem>>, vector<16xf32>,
          %get3A_261 = arith.index_cast %while3A_159 : i32 to index
          %get3A_262 = arith.constant 96 : index
          %get3A_263 = tpu.vector_load %arg15[%get3A_261, %get3A_262] {strides = array<i32>} : memref<128x128xf32, #tpu.memory_space<vmem>>, vector<16xf32>,
          %add3A_264 = arith.constant 96 : i32
          %add3A_265 = arith.addi %mul3A_165, %add3A_264 : i32
          %swap3A_266 = arith.index_cast %add3A_265 : i32 to index
          %swap3A_267 = tpu.vector_load %arg8[%swap3A_266] {strides = array<i32>} : memref<40192xf32, #tpu.memory_space<vmem>>, vector<16xf32>,
          tpu.vector_store %arg8[%swap3A_266], %get3A_263 {add = true, strides = array<i32>} : memref<40192xf32, #tpu.memory_space<vmem>>, vector<16xf32>,
          %add3A_268 = arith.constant 96 : i32
          %add3A_269 = arith.addi %mul3A_165, %add3A_268 : i32
          %get3A_270 = arith.index_cast %add3A_269 : i32 to index
          %get3A_271 = tpu.vector_load %arg9[%get3A_270] {strides = array<i32>} : memref<40192xf32, #tpu.memory_space<vmem>>, vector<16xf32>,
          %max3A_272 = arith.maximumf %get3A_271, %get3A_263 : vector<16xf32>
          %add3A_273 = arith.constant 96 : i32
          %add3A_274 = arith.addi %mul3A_165, %add3A_273 : i32
          %swap3A_275 = arith.index_cast %add3A_274 : i32 to index
          %swap3A_276 = tpu.vector_load %arg9[%swap3A_275] {strides = array<i32>} : memref<40192xf32, #tpu.memory_space<vmem>>, vector<16xf32>,
          tpu.vector_store %arg9[%swap3A_275], %max3A_272 {strides = array<i32>} : memref<40192xf32, #tpu.memory_space<vmem>>, vector<16xf32>,
          %get3A_277 = arith.index_cast %while3A_159 : i32 to index
          %get3A_278 = arith.constant 112 : index
          %get3A_279 = tpu.vector_load %arg15[%get3A_277, %get3A_278] {strides = array<i32>} : memref<128x128xf32, #tpu.memory_space<vmem>>, vector<16xf32>,
          %add3A_280 = arith.constant 112 : i32
          %add3A_281 = arith.addi %mul3A_165, %add3A_280 : i32
          %swap3A_282 = arith.index_cast %add3A_281 : i32 to index
          %swap3A_283 = tpu.vector_load %arg8[%swap3A_282] {strides = array<i32>} : memref<40192xf32, #tpu.memory_space<vmem>>, vector<16xf32>,
          tpu.vector_store %arg8[%swap3A_282], %get3A_279 {add = true, strides = array<i32>} : memref<40192xf32, #tpu.memory_space<vmem>>, vector<16xf32>,
          %add3A_284 = arith.constant 112 : i32
          %add3A_285 = arith.addi %mul3A_165, %add3A_284 : i32
          %get3A_286 = arith.index_cast %add3A_285 : i32 to index
          %get3A_287 = tpu.vector_load %arg9[%get3A_286] {strides = array<i32>} : memref<40192xf32, #tpu.memory_space<vmem>>, vector<16xf32>,
          %max3A_288 = arith.maximumf %get3A_287, %get3A_279 : vector<16xf32>
          %add3A_289 = arith.constant 112 : i32
          %add3A_290 = arith.addi %mul3A_165, %add3A_289 : i32
          %swap3A_291 = arith.index_cast %add3A_290 : i32 to index
          %swap3A_292 = tpu.vector_load %arg9[%swap3A_291] {strides = array<i32>} : memref<40192xf32, #tpu.memory_space<vmem>>, vector<16xf32>,
          tpu.vector_store %arg9[%swap3A_291], %max3A_288 {strides = array<i32>} : memref<40192xf32, #tpu.memory_space<vmem>>, vector<16xf32>,
          %jit3A_293 = arith.constant 8 : i32
          %div3A_294 = arith.divsi %mul3A_165, %jit3A_293 : i32
          %sign3A_295 = arith.constant 0 : i32
          %sign3A_296 = arith.cmpi sgt, %mul3A_165, %sign3A_295 : i32
          %sign3A_297 = arith.extui %sign3A_296 : i1 to i32
          %sign3A_298 = arith.constant 0 : i32
          %sign3A_299 = arith.cmpi slt, %mul3A_165, %sign3A_298 : i32
          %sign3A_300 = arith.extui %sign3A_299 : i1 to i32
          %sign3A_301 = arith.subi %sign3A_297, %sign3A_300 : i32
          %sign3A_302 = arith.constant 0 : i32
          %sign3A_303 = arith.cmpi sgt, %jit3A_293, %sign3A_302 : i32
          %sign3A_304 = arith.extui %sign3A_303 : i1 to i32
          %sign3A_305 = arith.constant 0 : i32
          %sign3A_306 = arith.cmpi slt, %jit3A_293, %sign3A_305 : i32
          %sign3A_307 = arith.extui %sign3A_306 : i1 to i32
          %sign3A_308 = arith.subi %sign3A_304, %sign3A_307 : i32
          %ne3A_309 = arith.cmpi ne, %sign3A_301, %sign3A_308 : i32
          %rem3A_310 = arith.remsi %mul3A_165, %jit3A_293 : i32
          %ne3A_311 = arith.constant 0 : i32
          %ne3A_312 = arith.cmpi ne, %rem3A_310, %ne3A_311 : i32
          %and3A_313 = arith.andi %ne3A_309, %ne3A_312 : i1
          %sub3A_314 = arith.constant 1 : i32
          %sub3A_315 = arith.subi %div3A_294, %sub3A_314 : i32
          %select_n3A_316 = arith.select %and3A_313, %sub3A_315, %div3A_294 : i32
          %swap3A_317 = arith.index_cast %select_n3A_316 : i32 to index
          %swap3A_318 = tpu.vector_load %arg10[%swap3A_317] {strides = array<i32>} : memref<5024xf32, #tpu.memory_space<vmem>>, vector<16xf32>,
          tpu.vector_store %arg10[%swap3A_317], %broadcast_in_dim3A_7 {add = true, strides = array<i32>} : memref<5024xf32, #tpu.memory_space<vmem>>, vector<16xf32>,
          %while3A_319 = arith.constant 0 : i32
          scf.yield %while3A_319 : i32
        }
        %while3A_156 = arith.constant 1 : i32
        %while3A_157 = scf.for %while3A_159 = %while3A_153 to %while3A_149 step %while3A_156 iter_args(%while3A_160 = %while3A_155) -> (i32)  : i32 {
          %add3A_161 = arith.addi %mul3A_88, %while3A_159 : i32
          %get3A_162 = arith.index_cast %add3A_161 : i32 to index
          %get3A_163 = tpu.vector_load %arg14[%get3A_162] {strides = array<i32>} : memref<4016xi32, #tpu.memory_space<vmem>>, vector<16xi32>,
          %slice3A = vector.extract_strided_slice %get3A_163 {offsets = [0], sizes = [1], strides = [1]} : vector<16xi32> to vector<1xi32>
          %squeeze3A = vector.extract %slice3A[0] : i32 from vector<1xi32>
          %mul3A_164 = arith.constant 128 : i32
          %mul3A_165 = arith.muli %squeeze3A, %mul3A_164 : i32
          %get3A_166 = arith.index_cast %while3A_159 : i32 to index
          %get3A_167 = arith.constant 0 : index
          %get3A_168 = tpu.vector_load %arg15[%get3A_166, %get3A_167] {strides = array<i32>} : memref<128x128xf32, #tpu.memory_space<vmem>>, vector<16xf32>,
          %add3A_169 = arith.constant 0 : i32
          %add3A_170 = arith.addi %mul3A_165, %add3A_169 : i32
          %swap3A_171 = arith.index_cast %add3A_170 : i32 to index
          %swap3A_172 = tpu.vector_load %arg8[%swap3A_171] {strides = array<i32>} : memref<40192xf32, #tpu.memory_space<vmem>>, vector<16xf32>,
          tpu.vector_store %arg8[%swap3A_171], %get3A_168 {add = true, strides = array<i32>} : memref<40192xf32, #tpu.memory_space<vmem>>, vector<16xf32>,
          %add3A_173 = arith.constant 0 : i32
          %add3A_174 = arith.addi %mul3A_165, %add3A_173 : i32
          %get3A_175 = arith.index_cast %add3A_174 : i32 to index
          %get3A_176 = tpu.vector_load %arg9[%get3A_175] {strides = array<i32>} : memref<40192xf32, #tpu.memory_space<vmem>>, vector<16xf32>,
          %max3A = arith.maximumf %get3A_176, %get3A_168 : vector<16xf32>
          %add3A_177 = arith.constant 0 : i32
          %add3A_178 = arith.addi %mul3A_165, %add3A_177 : i32
          %swap3A_179 = arith.index_cast %add3A_178 : i32 to index
          %swap3A_180 = tpu.vector_load %arg9[%swap3A_179] {strides = array<i32>} : memref<40192xf32, #tpu.memory_space<vmem>>, vector<16xf32>,
          tpu.vector_store %arg9[%swap3A_179], %max3A {strides = array<i32>} : memref<40192xf32, #tpu.memory_space<vmem>>, vector<16xf32>,
          %get3A_181 = arith.index_cast %while3A_159 : i32 to index
          %get3A_182 = arith.constant 16 : index
          %get3A_183 = tpu.vector_load %arg15[%get3A_181, %get3A_182] {strides = array<i32>} : memref<128x128xf32, #tpu.memory_space<vmem>>, vector<16xf32>,
          %add3A_184 = arith.constant 16 : i32
          %add3A_185 = arith.addi %mul3A_165, %add3A_184 : i32
          %swap3A_186 = arith.index_cast %add3A_185 : i32 to index
          %swap3A_187 = tpu.vector_load %arg8[%swap3A_186] {strides = array<i32>} : memref<40192xf32, #tpu.memory_space<vmem>>, vector<16xf32>,
          tpu.vector_store %arg8[%swap3A_186], %get3A_183 {add = true, strides = array<i32>} : memref<40192xf32, #tpu.memory_space<vmem>>, vector<16xf32>,
          %add3A_188 = arith.constant 16 : i32
          %add3A_189 = arith.addi %mul3A_165, %add3A_188 : i32
          %get3A_190 = arith.index_cast %add3A_189 : i32 to index
          %get3A_191 = tpu.vector_load %arg9[%get3A_190] {strides = array<i32>} : memref<40192xf32, #tpu.memory_space<vmem>>, vector<16xf32>,
          %max3A_192 = arith.maximumf %get3A_191, %get3A_183 : vector<16xf32>
          %add3A_193 = arith.constant 16 : i32
          %add3A_194 = arith.addi %mul3A_165, %add3A_193 : i32
          %swap3A_195 = arith.index_cast %add3A_194 : i32 to index
          %swap3A_196 = tpu.vector_load %arg9[%swap3A_195] {strides = array<i32>} : memref<40192xf32, #tpu.memory_space<vmem>>, vector<16xf32>,
          tpu.vector_store %arg9[%swap3A_195], %max3A_192 {strides = array<i32>} : memref<40192xf32, #tpu.memory_space<vmem>>, vector<16xf32>,
          %get3A_197 = arith.index_cast %while3A_159 : i32 to index
          %get3A_198 = arith.constant 32 : index
          %get3A_199 = tpu.vector_load %arg15[%get3A_197, %get3A_198] {strides = array<i32>} : memref<128x128xf32, #tpu.memory_space<vmem>>, vector<16xf32>,
          %add3A_200 = arith.constant 32 : i32
          %add3A_201 = arith.addi %mul3A_165, %add3A_200 : i32
          %swap3A_202 = arith.index_cast %add3A_201 : i32 to index
          %swap3A_203 = tpu.vector_load %arg8[%swap3A_202] {strides = array<i32>} : memref<40192xf32, #tpu.memory_space<vmem>>, vector<16xf32>,
          tpu.vector_store %arg8[%swap3A_202], %get3A_199 {add = true, strides = array<i32>} : memref<40192xf32, #tpu.memory_space<vmem>>, vector<16xf32>,
          %add3A_204 = arith.constant 32 : i32
          %add3A_205 = arith.addi %mul3A_165, %add3A_204 : i32
          %get3A_206 = arith.index_cast %add3A_205 : i32 to index
          %get3A_207 = tpu.vector_load %arg9[%get3A_206] {strides = array<i32>} : memref<40192xf32, #tpu.memory_space<vmem>>, vector<16xf32>,
          %max3A_208 = arith.maximumf %get3A_207, %get3A_199 : vector<16xf32>
          %add3A_209 = arith.constant 32 : i32
          %add3A_210 = arith.addi %mul3A_165, %add3A_209 : i32
          %swap3A_211 = arith.index_cast %add3A_210 : i32 to index
          %swap3A_212 = tpu.vector_load %arg9[%swap3A_211] {strides = array<i32>} : memref<40192xf32, #tpu.memory_space<vmem>>, vector<16xf32>,
          tpu.vector_store %arg9[%swap3A_211], %max3A_208 {strides = array<i32>} : memref<40192xf32, #tpu.memory_space<vmem>>, vector<16xf32>,
          %get3A_213 = arith.index_cast %while3A_159 : i32 to index
          %get3A_214 = arith.constant 48 : index
          %get3A_215 = tpu.vector_load %arg15[%get3A_213, %get3A_214] {strides = array<i32>} : memref<128x128xf32, #tpu.memory_space<vmem>>, vector<16xf32>,
          %add3A_216 = arith.constant 48 : i32
          %add3A_217 = arith.addi %mul3A_165, %add3A_216 : i32
          %swap3A_218 = arith.index_cast %add3A_217 : i32 to index
          %swap3A_219 = tpu.vector_load %arg8[%swap3A_218] {strides = array<i32>} : memref<40192xf32, #tpu.memory_space<vmem>>, vector<16xf32>,
          tpu.vector_store %arg8[%swap3A_218], %get3A_215 {add = true, strides = array<i32>} : memref<40192xf32, #tpu.memory_space<vmem>>, vector<16xf32>,
          %add3A_220 = arith.constant 48 : i32
          %add3A_221 = arith.addi %mul3A_165, %add3A_220 : i32
          %get3A_222 = arith.index_cast %add3A_221 : i32 to index
          %get3A_223 = tpu.vector_load %arg9[%get3A_222] {strides = array<i32>} : memref<40192xf32, #tpu.memory_space<vmem>>, vector<16xf32>,
          %max3A_224 = arith.maximumf %get3A_223, %get3A_215 : vector<16xf32>
          %add3A_225 = arith.constant 48 : i32
          %add3A_226 = arith.addi %mul3A_165, %add3A_225 : i32
          %swap3A_227 = arith.index_cast %add3A_226 : i32 to index
          %swap3A_228 = tpu.vector_load %arg9[%swap3A_227] {strides = array<i32>} : memref<40192xf32, #tpu.memory_space<vmem>>, vector<16xf32>,
          tpu.vector_store %arg9[%swap3A_227], %max3A_224 {strides = array<i32>} : memref<40192xf32, #tpu.memory_space<vmem>>, vector<16xf32>,
          %get3A_229 = arith.index_cast %while3A_159 : i32 to index
          %get3A_230 = arith.constant 64 : index
          %get3A_231 = tpu.vector_load %arg15[%get3A_229, %get3A_230] {strides = array<i32>} : memref<128x128xf32, #tpu.memory_space<vmem>>, vector<16xf32>,
          %add3A_232 = arith.constant 64 : i32
          %add3A_233 = arith.addi %mul3A_165, %add3A_232 : i32
          %swap3A_234 = arith.index_cast %add3A_233 : i32 to index
          %swap3A_235 = tpu.vector_load %arg8[%swap3A_234] {strides = array<i32>} : memref<40192xf32, #tpu.memory_space<vmem>>, vector<16xf32>,
          tpu.vector_store %arg8[%swap3A_234], %get3A_231 {add = true, strides = array<i32>} : memref<40192xf32, #tpu.memory_space<vmem>>, vector<16xf32>,
          %add3A_236 = arith.constant 64 : i32
          %add3A_237 = arith.addi %mul3A_165, %add3A_236 : i32
          %get3A_238 = arith.index_cast %add3A_237 : i32 to index
          %get3A_239 = tpu.vector_load %arg9[%get3A_238] {strides = array<i32>} : memref<40192xf32, #tpu.memory_space<vmem>>, vector<16xf32>,
          %max3A_240 = arith.maximumf %get3A_239, %get3A_231 : vector<16xf32>
          %add3A_241 = arith.constant 64 : i32
          %add3A_242 = arith.addi %mul3A_165, %add3A_241 : i32
          %swap3A_243 = arith.index_cast %add3A_242 : i32 to index
          %swap3A_244 = tpu.vector_load %arg9[%swap3A_243] {strides = array<i32>} : memref<40192xf32, #tpu.memory_space<vmem>>, vector<16xf32>,
          tpu.vector_store %arg9[%swap3A_243], %max3A_240 {strides = array<i32>} : memref<40192xf32, #tpu.memory_space<vmem>>, vector<16xf32>,
          %get3A_245 = arith.index_cast %while3A_159 : i32 to index
          %get3A_246 = arith.constant 80 : index
          %get3A_247 = tpu.vector_load %arg15[%get3A_245, %get3A_246] {strides = array<i32>} : memref<128x128xf32, #tpu.memory_space<vmem>>, vector<16xf32>,
          %add3A_248 = arith.constant 80 : i32
          %add3A_249 = arith.addi %mul3A_165, %add3A_248 : i32
          %swap3A_250 = arith.index_cast %add3A_249 : i32 to index
          %swap3A_251 = tpu.vector_load %arg8[%swap3A_250] {strides = array<i32>} : memref<40192xf32, #tpu.memory_space<vmem>>, vector<16xf32>,
          tpu.vector_store %arg8[%swap3A_250], %get3A_247 {add = true, strides = array<i32>} : memref<40192xf32, #tpu.memory_space<vmem>>, vector<16xf32>,
          %add3A_252 = arith.constant 80 : i32
          %add3A_253 = arith.addi %mul3A_165, %add3A_252 : i32
          %get3A_254 = arith.index_cast %add3A_253 : i32 to index
          %get3A_255 = tpu.vector_load %arg9[%get3A_254] {strides = array<i32>} : memref<40192xf32, #tpu.memory_space<vmem>>, vector<16xf32>,
          %max3A_256 = arith.maximumf %get3A_255, %get3A_247 : vector<16xf32>
          %add3A_257 = arith.constant 80 : i32
          %add3A_258 = arith.addi %mul3A_165, %add3A_257 : i32
          %swap3A_259 = arith.index_cast %add3A_258 : i32 to index
          %swap3A_260 = tpu.vector_load %arg9[%swap3A_259] {strides = array<i32>} : memref<40192xf32, #tpu.memory_space<vmem>>, vector<16xf32>,
          tpu.vector_store %arg9[%swap3A_259], %max3A_256 {strides = array<i32>} : memref<40192xf32, #tpu.memory_space<vmem>>, vector<16xf32>,
          %get3A_261 = arith.index_cast %while3A_159 : i32 to index
          %get3A_262 = arith.constant 96 : index
          %get3A_263 = tpu.vector_load %arg15[%get3A_261, %get3A_262] {strides = array<i32>} : memref<128x128xf32, #tpu.memory_space<vmem>>, vector<16xf32>,
          %add3A_264 = arith.constant 96 : i32
          %add3A_265 = arith.addi %mul3A_165, %add3A_264 : i32
          %swap3A_266 = arith.index_cast %add3A_265 : i32 to index
          %swap3A_267 = tpu.vector_load %arg8[%swap3A_266] {strides = array<i32>} : memref<40192xf32, #tpu.memory_space<vmem>>, vector<16xf32>,
          tpu.vector_store %arg8[%swap3A_266], %get3A_263 {add = true, strides = array<i32>} : memref<40192xf32, #tpu.memory_space<vmem>>, vector<16xf32>,
          %add3A_268 = arith.constant 96 : i32
          %add3A_269 = arith.addi %mul3A_165, %add3A_268 : i32
          %get3A_270 = arith.index_cast %add3A_269 : i32 to index
          %get3A_271 = tpu.vector_load %arg9[%get3A_270] {strides = array<i32>} : memref<40192xf32, #tpu.memory_space<vmem>>, vector<16xf32>,
          %max3A_272 = arith.maximumf %get3A_271, %get3A_263 : vector<16xf32>
          %add3A_273 = arith.constant 96 : i32
          %add3A_274 = arith.addi %mul3A_165, %add3A_273 : i32
          %swap3A_275 = arith.index_cast %add3A_274 : i32 to index
          %swap3A_276 = tpu.vector_load %arg9[%swap3A_275] {strides = array<i32>} : memref<40192xf32, #tpu.memory_space<vmem>>, vector<16xf32>,
          tpu.vector_store %arg9[%swap3A_275], %max3A_272 {strides = array<i32>} : memref<40192xf32, #tpu.memory_space<vmem>>, vector<16xf32>,
          %get3A_277 = arith.index_cast %while3A_159 : i32 to index
          %get3A_278 = arith.constant 112 : index
          %get3A_279 = tpu.vector_load %arg15[%get3A_277, %get3A_278] {strides = array<i32>} : memref<128x128xf32, #tpu.memory_space<vmem>>, vector<16xf32>,
          %add3A_280 = arith.constant 112 : i32
          %add3A_281 = arith.addi %mul3A_165, %add3A_280 : i32
          %swap3A_282 = arith.index_cast %add3A_281 : i32 to index
          %swap3A_283 = tpu.vector_load %arg8[%swap3A_282] {strides = array<i32>} : memref<40192xf32, #tpu.memory_space<vmem>>, vector<16xf32>,
          tpu.vector_store %arg8[%swap3A_282], %get3A_279 {add = true, strides = array<i32>} : memref<40192xf32, #tpu.memory_space<vmem>>, vector<16xf32>,
          %add3A_284 = arith.constant 112 : i32
          %add3A_285 = arith.addi %mul3A_165, %add3A_284 : i32
          %get3A_286 = arith.index_cast %add3A_285 : i32 to index
          %get3A_287 = tpu.vector_load %arg9[%get3A_286] {strides = array<i32>} : memref<40192xf32, #tpu.memory_space<vmem>>, vector<16xf32>,
          %max3A_288 = arith.maximumf %get3A_287, %get3A_279 : vector<16xf32>
          %add3A_289 = arith.constant 112 : i32
          %add3A_290 = arith.addi %mul3A_165, %add3A_289 : i32
          %swap3A_291 = arith.index_cast %add3A_290 : i32 to index
          %swap3A_292 = tpu.vector_load %arg9[%swap3A_291] {strides = array<i32>} : memref<40192xf32, #tpu.memory_space<vmem>>, vector<16xf32>,
          tpu.vector_store %arg9[%swap3A_291], %max3A_288 {strides = array<i32>} : memref<40192xf32, #tpu.memory_space<vmem>>, vector<16xf32>,
          %jit3A_293 = arith.constant 8 : i32
          %div3A_294 = arith.divsi %mul3A_165, %jit3A_293 : i32
          %sign3A_295 = arith.constant 0 : i32
          %sign3A_296 = arith.cmpi sgt, %mul3A_165, %sign3A_295 : i32
          %sign3A_297 = arith.extui %sign3A_296 : i1 to i32
          %sign3A_298 = arith.constant 0 : i32
          %sign3A_299 = arith.cmpi slt, %mul3A_165, %sign3A_298 : i32
          %sign3A_300 = arith.extui %sign3A_299 : i1 to i32
          %sign3A_301 = arith.subi %sign3A_297, %sign3A_300 : i32
          %sign3A_302 = arith.constant 0 : i32
          %sign3A_303 = arith.cmpi sgt, %jit3A_293, %sign3A_302 : i32
          %sign3A_304 = arith.extui %sign3A_303 : i1 to i32
          %sign3A_305 = arith.constant 0 : i32
          %sign3A_306 = arith.cmpi slt, %jit3A_293, %sign3A_305 : i32
          %sign3A_307 = arith.extui %sign3A_306 : i1 to i32
          %sign3A_308 = arith.subi %sign3A_304, %sign3A_307 : i32
          %ne3A_309 = arith.cmpi ne, %sign3A_301, %sign3A_308 : i32
          %rem3A_310 = arith.remsi %mul3A_165, %jit3A_293 : i32
          %ne3A_311 = arith.constant 0 : i32
          %ne3A_312 = arith.cmpi ne, %rem3A_310, %ne3A_311 : i32
          %and3A_313 = arith.andi %ne3A_309, %ne3A_312 : i1
          %sub3A_314 = arith.constant 1 : i32
          %sub3A_315 = arith.subi %div3A_294, %sub3A_314 : i32
          %select_n3A_316 = arith.select %and3A_313, %sub3A_315, %div3A_294 : i32
          %swap3A_317 = arith.index_cast %select_n3A_316 : i32 to index
          %swap3A_318 = tpu.vector_load %arg10[%swap3A_317] {strides = array<i32>} : memref<5024xf32, #tpu.memory_space<vmem>>, vector<16xf32>,
          tpu.vector_store %arg10[%swap3A_317], %broadcast_in_dim3A_7 {add = true, strides = array<i32>} : memref<5024xf32, #tpu.memory_space<vmem>>, vector<16xf32>,
          %while3A_319 = arith.constant 0 : i32
          scf.yield %while3A_319 : i32
        }
        %while3A_158 = arith.constant 0 : i32
        scf.yield %while3A_158 : i32
      }
      %while3A_83 = arith.constant 1 : i32
      %while3A_84 = scf.for %while3A_85 = %while3A_80 to %while3A_76 step %while3A_83 iter_args(%while3A_86 = %while3A_82) -> (i32)  : i32 {
        %mul3A_87 = arith.constant 128 : i32
        %mul3A_88 = arith.muli %while3A_85, %mul3A_87 : i32
        %sub3A_89 = arith.subi %get3A_53, %mul3A_88 : i32
        %add3A_90 = arith.constant 8 : i32
        %add3A_91 = arith.addi %sub3A_89, %add3A_90 : i32
        %sub3A_92 = arith.constant 1 : i32
        %sub3A_93 = arith.subi %add3A_91, %sub3A_92 : i32
        %jit3A_94 = arith.constant 8 : i32
        %div3A_95 = arith.divsi %sub3A_93, %jit3A_94 : i32
        %sign3A_96 = arith.constant 0 : i32
        %sign3A_97 = arith.cmpi sgt, %sub3A_93, %sign3A_96 : i32
        %sign3A_98 = arith.extui %sign3A_97 : i1 to i32
        %sign3A_99 = arith.constant 0 : i32
        %sign3A_100 = arith.cmpi slt, %sub3A_93, %sign3A_99 : i32
        %sign3A_101 = arith.extui %sign3A_100 : i1 to i32
        %sign3A_102 = arith.subi %sign3A_98, %sign3A_101 : i32
        %sign3A_103 = arith.constant 0 : i32
        %sign3A_104 = arith.cmpi sgt, %jit3A_94, %sign3A_103 : i32
        %sign3A_105 = arith.extui %sign3A_104 : i1 to i32
        %sign3A_106 = arith.constant 0 : i32
        %sign3A_107 = arith.cmpi slt, %jit3A_94, %sign3A_106 : i32
        %sign3A_108 = arith.extui %sign3A_107 : i1 to i32
        %sign3A_109 = arith.subi %sign3A_105, %sign3A_108 : i32
        %ne3A_110 = arith.cmpi ne, %sign3A_102, %sign3A_109 : i32
        %rem3A_111 = arith.remsi %sub3A_93, %jit3A_94 : i32
        %ne3A_112 = arith.constant 0 : i32
        %ne3A_113 = arith.cmpi ne, %rem3A_111, %ne3A_112 : i32
        %and3A_114 = arith.andi %ne3A_110, %ne3A_113 : i1
        %sub3A_115 = arith.constant 1 : i32
        %sub3A_116 = arith.subi %div3A_95, %sub3A_115 : i32
        %select_n3A_117 = arith.select %and3A_114, %sub3A_116, %div3A_95 : i32
        %min3A = arith.constant 16 : i32
        %min3A_118 = arith.minsi %select_n3A_117, %min3A : i32
        %while3A_119 = arith.constant 0 : i32
        %while3A_120 = arith.constant 0 : i32
        %while3A_121 = arith.subi %min3A_118, %while3A_119 : i32
        %while3A_122 = arith.addi %while3A_119, %while3A_121 : i32
        %while3A_123 = arith.constant 1 : i32
        %while3A_124 = arith.divsi %while3A_121, %while3A_123 : i32
        %while3A_125 = arith.muli %while3A_124, %while3A_123 : i32
        %while3A_126 = arith.addi %while3A_119, %while3A_125 : i32
        %while3A_127 = arith.constant 1 : i32
        %while3A_128 = scf.for %while3A_159 = %while3A_119 to %while3A_126 step %while3A_127 iter_args(%while3A_160 = %while3A_120) -> (i32)  : i32 {
          %mul3A_161 = arith.constant 8 : i32
          %mul3A_162 = arith.muli %while3A_159, %mul3A_161 : i32
          %add3A_163 = arith.addi %mul3A_88, %mul3A_162 : i32
          %mul3A_164 = arith.constant 8 : i32
          %mul3A_165 = arith.muli %while3A_159, %mul3A_164 : i32
          %dma_start3A = arith.constant 0 : i32
          %dma_start3A_166 = tpu.memref_slice %arg15[%mul3A_165, %dma_start3A] : memref<128x128xf32, #tpu.memory_space<vmem>> -> memref<8x128xf32, #tpu.memory_space<vmem>>
          %dma_start3A_167 = tpu.memref_slice %arg13[%add3A_163] : memref<4000xi32, #tpu.memory_space<vmem>> -> memref<8xi32, #tpu.memory_space<vmem>>
          %dma_start3A_168 = arith.constant 0 : i32
          %dma_start3A_169 = arith.constant 0 : i32
          %dma_start3A_170 = tpu.memref_slice %arg2[%dma_start3A_168, %dma_start3A_169] : memref<10000x128xf32, #tpu.memory_space<hbm>> -> memref<10000x128xf32, #tpu.memory_space<hbm>>
          tpu.enqueue_indirect_dma source(%dma_start3A_170 : memref<10000x128xf32, #tpu.memory_space<hbm>>) target(%dma_start3A_166 : memref<8x128xf32, #tpu.memory_space<vmem>>) offsets(%dma_start3A_167 : memref<8xi32, #tpu.memory_space<vmem>>) semaphore(%arg17 : memref<!tpu.dma_semaphore, #tpu.memory_space<semaphore_mem>>)
          %while3A_171 = arith.constant 0 : i32
          scf.yield %while3A_171 : i32
        }
        %while3A_129 = arith.constant 1 : i32
        %while3A_130 = scf.for %while3A_159 = %while3A_126 to %while3A_122 step %while3A_129 iter_args(%while3A_160 = %while3A_128) -> (i32)  : i32 {
          %mul3A_161 = arith.constant 8 : i32
          %mul3A_162 = arith.muli %while3A_159, %mul3A_161 : i32
          %add3A_163 = arith.addi %mul3A_88, %mul3A_162 : i32
          %mul3A_164 = arith.constant 8 : i32
          %mul3A_165 = arith.muli %while3A_159, %mul3A_164 : i32
          %dma_start3A = arith.constant 0 : i32
          %dma_start3A_166 = tpu.memref_slice %arg15[%mul3A_165, %dma_start3A] : memref<128x128xf32, #tpu.memory_space<vmem>> -> memref<8x128xf32, #tpu.memory_space<vmem>>
          %dma_start3A_167 = tpu.memref_slice %arg13[%add3A_163] : memref<4000xi32, #tpu.memory_space<vmem>> -> memref<8xi32, #tpu.memory_space<vmem>>
          %dma_start3A_168 = arith.constant 0 : i32
          %dma_start3A_169 = arith.constant 0 : i32
          %dma_start3A_170 = tpu.memref_slice %arg2[%dma_start3A_168, %dma_start3A_169] : memref<10000x128xf32, #tpu.memory_space<hbm>> -> memref<10000x128xf32, #tpu.memory_space<hbm>>
          tpu.enqueue_indirect_dma source(%dma_start3A_170 : memref<10000x128xf32, #tpu.memory_space<hbm>>) target(%dma_start3A_166 : memref<8x128xf32, #tpu.memory_space<vmem>>) offsets(%dma_start3A_167 : memref<8xi32, #tpu.memory_space<vmem>>) semaphore(%arg17 : memref<!tpu.dma_semaphore, #tpu.memory_space<semaphore_mem>>)
          %while3A_171 = arith.constant 0 : i32
          scf.yield %while3A_171 : i32
        }
        %while3A_131 = arith.constant 0 : i32
        %while3A_132 = arith.constant 0 : i32
        %while3A_133 = arith.subi %min3A_118, %while3A_131 : i32
        %while3A_134 = arith.addi %while3A_131, %while3A_133 : i32
        %while3A_135 = arith.constant 1 : i32
        %while3A_136 = arith.divsi %while3A_133, %while3A_135 : i32
        %while3A_137 = arith.muli %while3A_136, %while3A_135 : i32
        %while3A_138 = arith.addi %while3A_131, %while3A_137 : i32
        %while3A_139 = arith.constant 1 : i32
        %while3A_140 = scf.for %while3A_159 = %while3A_131 to %while3A_138 step %while3A_139 iter_args(%while3A_160 = %while3A_132) -> (i32)  : i32 {
          %mul3A_161 = arith.constant 8 : i32
          %mul3A_162 = arith.muli %while3A_159, %mul3A_161 : i32
          %dma_wait3A = arith.constant 0 : i32
          %dma_wait3A_163 = tpu.memref_slice %arg15[%mul3A_162, %dma_wait3A] : memref<128x128xf32, #tpu.memory_space<vmem>> -> memref<8x128xf32, #tpu.memory_space<vmem>>
          %dma_wait3A_164 = arith.constant 0 : i32
          %dma_wait3A_165 = arith.constant 0 : i32
          %dma_wait3A_166 = tpu.memref_slice %arg2[%dma_wait3A_164, %dma_wait3A_165] : memref<10000x128xf32, #tpu.memory_space<hbm>> -> memref<8x128xf32, #tpu.memory_space<hbm>>
          %dma_wait3A_167 = arith.constant 0 : i32
          %dma_wait3A_168 = tpu.memref_slice %arg15[%mul3A_162, %dma_wait3A_167] : memref<128x128xf32, #tpu.memory_space<vmem>> -> memref<8x128xf32, #tpu.memory_space<vmem>>
          %dma_wait3A_169 = arith.constant 0 : i32
          %dma_wait3A_170 = arith.constant 0 : i32
          %dma_wait3A_171 = tpu.memref_slice %arg2[%dma_wait3A_169, %dma_wait3A_170] : memref<10000x128xf32, #tpu.memory_space<hbm>> -> memref<8x128xf32, #tpu.memory_space<hbm>>
          tpu.wait_dma2 semaphore(%arg17 : memref<!tpu.dma_semaphore, #tpu.memory_space<semaphore_mem>>) src(%dma_wait3A_171 : memref<8x128xf32, #tpu.memory_space<hbm>>) dst(%dma_wait3A_168 : memref<8x128xf32, #tpu.memory_space<vmem>>)
          %while3A_172 = arith.constant 0 : i32
          scf.yield %while3A_172 : i32
        }
        %while3A_141 = arith.constant 1 : i32
        %while3A_142 = scf.for %while3A_159 = %while3A_138 to %while3A_134 step %while3A_141 iter_args(%while3A_160 = %while3A_140) -> (i32)  : i32 {
          %mul3A_161 = arith.constant 8 : i32
          %mul3A_162 = arith.muli %while3A_159, %mul3A_161 : i32
          %dma_wait3A = arith.constant 0 : i32
          %dma_wait3A_163 = tpu.memref_slice %arg15[%mul3A_162, %dma_wait3A] : memref<128x128xf32, #tpu.memory_space<vmem>> -> memref<8x128xf32, #tpu.memory_space<vmem>>
          %dma_wait3A_164 = arith.constant 0 : i32
          %dma_wait3A_165 = arith.constant 0 : i32
          %dma_wait3A_166 = tpu.memref_slice %arg2[%dma_wait3A_164, %dma_wait3A_165] : memref<10000x128xf32, #tpu.memory_space<hbm>> -> memref<8x128xf32, #tpu.memory_space<hbm>>
          %dma_wait3A_167 = arith.constant 0 : i32
          %dma_wait3A_168 = tpu.memref_slice %arg15[%mul3A_162, %dma_wait3A_167] : memref<128x128xf32, #tpu.memory_space<vmem>> -> memref<8x128xf32, #tpu.memory_space<vmem>>
          %dma_wait3A_169 = arith.constant 0 : i32
          %dma_wait3A_170 = arith.constant 0 : i32
          %dma_wait3A_171 = tpu.memref_slice %arg2[%dma_wait3A_169, %dma_wait3A_170] : memref<10000x128xf32, #tpu.memory_space<hbm>> -> memref<8x128xf32, #tpu.memory_space<hbm>>
          tpu.wait_dma2 semaphore(%arg17 : memref<!tpu.dma_semaphore, #tpu.memory_space<semaphore_mem>>) src(%dma_wait3A_171 : memref<8x128xf32, #tpu.memory_space<hbm>>) dst(%dma_wait3A_168 : memref<8x128xf32, #tpu.memory_space<vmem>>)
          %while3A_172 = arith.constant 0 : i32
          scf.yield %while3A_172 : i32
        }
        %sub3A_143 = arith.subi %get3A_53, %mul3A_88 : i32
        %min3A_144 = arith.constant 128 : i32
        %min3A_145 = arith.minsi %sub3A_143, %min3A_144 : i32
        %while3A_146 = arith.constant 0 : i32
        %while3A_147 = arith.constant 0 : i32
        %while3A_148 = arith.subi %min3A_145, %while3A_146 : i32
        %while3A_149 = arith.addi %while3A_146, %while3A_148 : i32
        %while3A_150 = arith.constant 1 : i32
        %while3A_151 = arith.divsi %while3A_148, %while3A_150 : i32
        %while3A_152 = arith.muli %while3A_151, %while3A_150 : i32
        %while3A_153 = arith.addi %while3A_146, %while3A_152 : i32
        %while3A_154 = arith.constant 1 : i32
        %while3A_155 = scf.for %while3A_159 = %while3A_146 to %while3A_153 step %while3A_154 iter_args(%while3A_160 = %while3A_147) -> (i32)  : i32 {
          %add3A_161 = arith.addi %mul3A_88, %while3A_159 : i32
          %get3A_162 = arith.index_cast %add3A_161 : i32 to index
          %get3A_163 = tpu.vector_load %arg14[%get3A_162] {strides = array<i32>} : memref<4016xi32, #tpu.memory_space<vmem>>, vector<16xi32>,
          %slice3A = vector.extract_strided_slice %get3A_163 {offsets = [0], sizes = [1], strides = [1]} : vector<16xi32> to vector<1xi32>
          %squeeze3A = vector.extract %slice3A[0] : i32 from vector<1xi32>
          %mul3A_164 = arith.constant 128 : i32
          %mul3A_165 = arith.muli %squeeze3A, %mul3A_164 : i32
          %get3A_166 = arith.index_cast %while3A_159 : i32 to index
          %get3A_167 = arith.constant 0 : index
          %get3A_168 = tpu.vector_load %arg15[%get3A_166, %get3A_167] {strides = array<i32>} : memref<128x128xf32, #tpu.memory_space<vmem>>, vector<16xf32>,
          %add3A_169 = arith.constant 0 : i32
          %add3A_170 = arith.addi %mul3A_165, %add3A_169 : i32
          %swap3A_171 = arith.index_cast %add3A_170 : i32 to index
          %swap3A_172 = tpu.vector_load %arg8[%swap3A_171] {strides = array<i32>} : memref<40192xf32, #tpu.memory_space<vmem>>, vector<16xf32>,
          tpu.vector_store %arg8[%swap3A_171], %get3A_168 {add = true, strides = array<i32>} : memref<40192xf32, #tpu.memory_space<vmem>>, vector<16xf32>,
          %add3A_173 = arith.constant 0 : i32
          %add3A_174 = arith.addi %mul3A_165, %add3A_173 : i32
          %get3A_175 = arith.index_cast %add3A_174 : i32 to index
          %get3A_176 = tpu.vector_load %arg9[%get3A_175] {strides = array<i32>} : memref<40192xf32, #tpu.memory_space<vmem>>, vector<16xf32>,
          %max3A = arith.maximumf %get3A_176, %get3A_168 : vector<16xf32>
          %add3A_177 = arith.constant 0 : i32
          %add3A_178 = arith.addi %mul3A_165, %add3A_177 : i32
          %swap3A_179 = arith.index_cast %add3A_178 : i32 to index
          %swap3A_180 = tpu.vector_load %arg9[%swap3A_179] {strides = array<i32>} : memref<40192xf32, #tpu.memory_space<vmem>>, vector<16xf32>,
          tpu.vector_store %arg9[%swap3A_179], %max3A {strides = array<i32>} : memref<40192xf32, #tpu.memory_space<vmem>>, vector<16xf32>,
          %get3A_181 = arith.index_cast %while3A_159 : i32 to index
          %get3A_182 = arith.constant 16 : index
          %get3A_183 = tpu.vector_load %arg15[%get3A_181, %get3A_182] {strides = array<i32>} : memref<128x128xf32, #tpu.memory_space<vmem>>, vector<16xf32>,
          %add3A_184 = arith.constant 16 : i32
          %add3A_185 = arith.addi %mul3A_165, %add3A_184 : i32
          %swap3A_186 = arith.index_cast %add3A_185 : i32 to index
          %swap3A_187 = tpu.vector_load %arg8[%swap3A_186] {strides = array<i32>} : memref<40192xf32, #tpu.memory_space<vmem>>, vector<16xf32>,
          tpu.vector_store %arg8[%swap3A_186], %get3A_183 {add = true, strides = array<i32>} : memref<40192xf32, #tpu.memory_space<vmem>>, vector<16xf32>,
          %add3A_188 = arith.constant 16 : i32
          %add3A_189 = arith.addi %mul3A_165, %add3A_188 : i32
          %get3A_190 = arith.index_cast %add3A_189 : i32 to index
          %get3A_191 = tpu.vector_load %arg9[%get3A_190] {strides = array<i32>} : memref<40192xf32, #tpu.memory_space<vmem>>, vector<16xf32>,
          %max3A_192 = arith.maximumf %get3A_191, %get3A_183 : vector<16xf32>
          %add3A_193 = arith.constant 16 : i32
          %add3A_194 = arith.addi %mul3A_165, %add3A_193 : i32
          %swap3A_195 = arith.index_cast %add3A_194 : i32 to index
          %swap3A_196 = tpu.vector_load %arg9[%swap3A_195] {strides = array<i32>} : memref<40192xf32, #tpu.memory_space<vmem>>, vector<16xf32>,
          tpu.vector_store %arg9[%swap3A_195], %max3A_192 {strides = array<i32>} : memref<40192xf32, #tpu.memory_space<vmem>>, vector<16xf32>,
          %get3A_197 = arith.index_cast %while3A_159 : i32 to index
          %get3A_198 = arith.constant 32 : index
          %get3A_199 = tpu.vector_load %arg15[%get3A_197, %get3A_198] {strides = array<i32>} : memref<128x128xf32, #tpu.memory_space<vmem>>, vector<16xf32>,
          %add3A_200 = arith.constant 32 : i32
          %add3A_201 = arith.addi %mul3A_165, %add3A_200 : i32
          %swap3A_202 = arith.index_cast %add3A_201 : i32 to index
          %swap3A_203 = tpu.vector_load %arg8[%swap3A_202] {strides = array<i32>} : memref<40192xf32, #tpu.memory_space<vmem>>, vector<16xf32>,
          tpu.vector_store %arg8[%swap3A_202], %get3A_199 {add = true, strides = array<i32>} : memref<40192xf32, #tpu.memory_space<vmem>>, vector<16xf32>,
          %add3A_204 = arith.constant 32 : i32
          %add3A_205 = arith.addi %mul3A_165, %add3A_204 : i32
          %get3A_206 = arith.index_cast %add3A_205 : i32 to index
          %get3A_207 = tpu.vector_load %arg9[%get3A_206] {strides = array<i32>} : memref<40192xf32, #tpu.memory_space<vmem>>, vector<16xf32>,
          %max3A_208 = arith.maximumf %get3A_207, %get3A_199 : vector<16xf32>
          %add3A_209 = arith.constant 32 : i32
          %add3A_210 = arith.addi %mul3A_165, %add3A_209 : i32
          %swap3A_211 = arith.index_cast %add3A_210 : i32 to index
          %swap3A_212 = tpu.vector_load %arg9[%swap3A_211] {strides = array<i32>} : memref<40192xf32, #tpu.memory_space<vmem>>, vector<16xf32>,
          tpu.vector_store %arg9[%swap3A_211], %max3A_208 {strides = array<i32>} : memref<40192xf32, #tpu.memory_space<vmem>>, vector<16xf32>,
          %get3A_213 = arith.index_cast %while3A_159 : i32 to index
          %get3A_214 = arith.constant 48 : index
          %get3A_215 = tpu.vector_load %arg15[%get3A_213, %get3A_214] {strides = array<i32>} : memref<128x128xf32, #tpu.memory_space<vmem>>, vector<16xf32>,
          %add3A_216 = arith.constant 48 : i32
          %add3A_217 = arith.addi %mul3A_165, %add3A_216 : i32
          %swap3A_218 = arith.index_cast %add3A_217 : i32 to index
          %swap3A_219 = tpu.vector_load %arg8[%swap3A_218] {strides = array<i32>} : memref<40192xf32, #tpu.memory_space<vmem>>, vector<16xf32>,
          tpu.vector_store %arg8[%swap3A_218], %get3A_215 {add = true, strides = array<i32>} : memref<40192xf32, #tpu.memory_space<vmem>>, vector<16xf32>,
          %add3A_220 = arith.constant 48 : i32
          %add3A_221 = arith.addi %mul3A_165, %add3A_220 : i32
          %get3A_222 = arith.index_cast %add3A_221 : i32 to index
          %get3A_223 = tpu.vector_load %arg9[%get3A_222] {strides = array<i32>} : memref<40192xf32, #tpu.memory_space<vmem>>, vector<16xf32>,
          %max3A_224 = arith.maximumf %get3A_223, %get3A_215 : vector<16xf32>
          %add3A_225 = arith.constant 48 : i32
          %add3A_226 = arith.addi %mul3A_165, %add3A_225 : i32
          %swap3A_227 = arith.index_cast %add3A_226 : i32 to index
          %swap3A_228 = tpu.vector_load %arg9[%swap3A_227] {strides = array<i32>} : memref<40192xf32, #tpu.memory_space<vmem>>, vector<16xf32>,
          tpu.vector_store %arg9[%swap3A_227], %max3A_224 {strides = array<i32>} : memref<40192xf32, #tpu.memory_space<vmem>>, vector<16xf32>,
          %get3A_229 = arith.index_cast %while3A_159 : i32 to index
          %get3A_230 = arith.constant 64 : index
          %get3A_231 = tpu.vector_load %arg15[%get3A_229, %get3A_230] {strides = array<i32>} : memref<128x128xf32, #tpu.memory_space<vmem>>, vector<16xf32>,
          %add3A_232 = arith.constant 64 : i32
          %add3A_233 = arith.addi %mul3A_165, %add3A_232 : i32
          %swap3A_234 = arith.index_cast %add3A_233 : i32 to index
          %swap3A_235 = tpu.vector_load %arg8[%swap3A_234] {strides = array<i32>} : memref<40192xf32, #tpu.memory_space<vmem>>, vector<16xf32>,
          tpu.vector_store %arg8[%swap3A_234], %get3A_231 {add = true, strides = array<i32>} : memref<40192xf32, #tpu.memory_space<vmem>>, vector<16xf32>,
          %add3A_236 = arith.constant 64 : i32
          %add3A_237 = arith.addi %mul3A_165, %add3A_236 : i32
          %get3A_238 = arith.index_cast %add3A_237 : i32 to index
          %get3A_239 = tpu.vector_load %arg9[%get3A_238] {strides = array<i32>} : memref<40192xf32, #tpu.memory_space<vmem>>, vector<16xf32>,
          %max3A_240 = arith.maximumf %get3A_239, %get3A_231 : vector<16xf32>
          %add3A_241 = arith.constant 64 : i32
          %add3A_242 = arith.addi %mul3A_165, %add3A_241 : i32
          %swap3A_243 = arith.index_cast %add3A_242 : i32 to index
          %swap3A_244 = tpu.vector_load %arg9[%swap3A_243] {strides = array<i32>} : memref<40192xf32, #tpu.memory_space<vmem>>, vector<16xf32>,
          tpu.vector_store %arg9[%swap3A_243], %max3A_240 {strides = array<i32>} : memref<40192xf32, #tpu.memory_space<vmem>>, vector<16xf32>,
          %get3A_245 = arith.index_cast %while3A_159 : i32 to index
          %get3A_246 = arith.constant 80 : index
          %get3A_247 = tpu.vector_load %arg15[%get3A_245, %get3A_246] {strides = array<i32>} : memref<128x128xf32, #tpu.memory_space<vmem>>, vector<16xf32>,
          %add3A_248 = arith.constant 80 : i32
          %add3A_249 = arith.addi %mul3A_165, %add3A_248 : i32
          %swap3A_250 = arith.index_cast %add3A_249 : i32 to index
          %swap3A_251 = tpu.vector_load %arg8[%swap3A_250] {strides = array<i32>} : memref<40192xf32, #tpu.memory_space<vmem>>, vector<16xf32>,
          tpu.vector_store %arg8[%swap3A_250], %get3A_247 {add = true, strides = array<i32>} : memref<40192xf32, #tpu.memory_space<vmem>>, vector<16xf32>,
          %add3A_252 = arith.constant 80 : i32
          %add3A_253 = arith.addi %mul3A_165, %add3A_252 : i32
          %get3A_254 = arith.index_cast %add3A_253 : i32 to index
          %get3A_255 = tpu.vector_load %arg9[%get3A_254] {strides = array<i32>} : memref<40192xf32, #tpu.memory_space<vmem>>, vector<16xf32>,
          %max3A_256 = arith.maximumf %get3A_255, %get3A_247 : vector<16xf32>
          %add3A_257 = arith.constant 80 : i32
          %add3A_258 = arith.addi %mul3A_165, %add3A_257 : i32
          %swap3A_259 = arith.index_cast %add3A_258 : i32 to index
          %swap3A_260 = tpu.vector_load %arg9[%swap3A_259] {strides = array<i32>} : memref<40192xf32, #tpu.memory_space<vmem>>, vector<16xf32>,
          tpu.vector_store %arg9[%swap3A_259], %max3A_256 {strides = array<i32>} : memref<40192xf32, #tpu.memory_space<vmem>>, vector<16xf32>,
          %get3A_261 = arith.index_cast %while3A_159 : i32 to index
          %get3A_262 = arith.constant 96 : index
          %get3A_263 = tpu.vector_load %arg15[%get3A_261, %get3A_262] {strides = array<i32>} : memref<128x128xf32, #tpu.memory_space<vmem>>, vector<16xf32>,
          %add3A_264 = arith.constant 96 : i32
          %add3A_265 = arith.addi %mul3A_165, %add3A_264 : i32
          %swap3A_266 = arith.index_cast %add3A_265 : i32 to index
          %swap3A_267 = tpu.vector_load %arg8[%swap3A_266] {strides = array<i32>} : memref<40192xf32, #tpu.memory_space<vmem>>, vector<16xf32>,
          tpu.vector_store %arg8[%swap3A_266], %get3A_263 {add = true, strides = array<i32>} : memref<40192xf32, #tpu.memory_space<vmem>>, vector<16xf32>,
          %add3A_268 = arith.constant 96 : i32
          %add3A_269 = arith.addi %mul3A_165, %add3A_268 : i32
          %get3A_270 = arith.index_cast %add3A_269 : i32 to index
          %get3A_271 = tpu.vector_load %arg9[%get3A_270] {strides = array<i32>} : memref<40192xf32, #tpu.memory_space<vmem>>, vector<16xf32>,
          %max3A_272 = arith.maximumf %get3A_271, %get3A_263 : vector<16xf32>
          %add3A_273 = arith.constant 96 : i32
          %add3A_274 = arith.addi %mul3A_165, %add3A_273 : i32
          %swap3A_275 = arith.index_cast %add3A_274 : i32 to index
          %swap3A_276 = tpu.vector_load %arg9[%swap3A_275] {strides = array<i32>} : memref<40192xf32, #tpu.memory_space<vmem>>, vector<16xf32>,
          tpu.vector_store %arg9[%swap3A_275], %max3A_272 {strides = array<i32>} : memref<40192xf32, #tpu.memory_space<vmem>>, vector<16xf32>,
          %get3A_277 = arith.index_cast %while3A_159 : i32 to index
          %get3A_278 = arith.constant 112 : index
          %get3A_279 = tpu.vector_load %arg15[%get3A_277, %get3A_278] {strides = array<i32>} : memref<128x128xf32, #tpu.memory_space<vmem>>, vector<16xf32>,
          %add3A_280 = arith.constant 112 : i32
          %add3A_281 = arith.addi %mul3A_165, %add3A_280 : i32
          %swap3A_282 = arith.index_cast %add3A_281 : i32 to index
          %swap3A_283 = tpu.vector_load %arg8[%swap3A_282] {strides = array<i32>} : memref<40192xf32, #tpu.memory_space<vmem>>, vector<16xf32>,
          tpu.vector_store %arg8[%swap3A_282], %get3A_279 {add = true, strides = array<i32>} : memref<40192xf32, #tpu.memory_space<vmem>>, vector<16xf32>,
          %add3A_284 = arith.constant 112 : i32
          %add3A_285 = arith.addi %mul3A_165, %add3A_284 : i32
          %get3A_286 = arith.index_cast %add3A_285 : i32 to index
          %get3A_287 = tpu.vector_load %arg9[%get3A_286] {strides = array<i32>} : memref<40192xf32, #tpu.memory_space<vmem>>, vector<16xf32>,
          %max3A_288 = arith.maximumf %get3A_287, %get3A_279 : vector<16xf32>
          %add3A_289 = arith.constant 112 : i32
          %add3A_290 = arith.addi %mul3A_165, %add3A_289 : i32
          %swap3A_291 = arith.index_cast %add3A_290 : i32 to index
          %swap3A_292 = tpu.vector_load %arg9[%swap3A_291] {strides = array<i32>} : memref<40192xf32, #tpu.memory_space<vmem>>, vector<16xf32>,
          tpu.vector_store %arg9[%swap3A_291], %max3A_288 {strides = array<i32>} : memref<40192xf32, #tpu.memory_space<vmem>>, vector<16xf32>,
          %jit3A_293 = arith.constant 8 : i32
          %div3A_294 = arith.divsi %mul3A_165, %jit3A_293 : i32
          %sign3A_295 = arith.constant 0 : i32
          %sign3A_296 = arith.cmpi sgt, %mul3A_165, %sign3A_295 : i32
          %sign3A_297 = arith.extui %sign3A_296 : i1 to i32
          %sign3A_298 = arith.constant 0 : i32
          %sign3A_299 = arith.cmpi slt, %mul3A_165, %sign3A_298 : i32
          %sign3A_300 = arith.extui %sign3A_299 : i1 to i32
          %sign3A_301 = arith.subi %sign3A_297, %sign3A_300 : i32
          %sign3A_302 = arith.constant 0 : i32
          %sign3A_303 = arith.cmpi sgt, %jit3A_293, %sign3A_302 : i32
          %sign3A_304 = arith.extui %sign3A_303 : i1 to i32
          %sign3A_305 = arith.constant 0 : i32
          %sign3A_306 = arith.cmpi slt, %jit3A_293, %sign3A_305 : i32
          %sign3A_307 = arith.extui %sign3A_306 : i1 to i32
          %sign3A_308 = arith.subi %sign3A_304, %sign3A_307 : i32
          %ne3A_309 = arith.cmpi ne, %sign3A_301, %sign3A_308 : i32
          %rem3A_310 = arith.remsi %mul3A_165, %jit3A_293 : i32
          %ne3A_311 = arith.constant 0 : i32
          %ne3A_312 = arith.cmpi ne, %rem3A_310, %ne3A_311 : i32
          %and3A_313 = arith.andi %ne3A_309, %ne3A_312 : i1
          %sub3A_314 = arith.constant 1 : i32
          %sub3A_315 = arith.subi %div3A_294, %sub3A_314 : i32
          %select_n3A_316 = arith.select %and3A_313, %sub3A_315, %div3A_294 : i32
          %swap3A_317 = arith.index_cast %select_n3A_316 : i32 to index
          %swap3A_318 = tpu.vector_load %arg10[%swap3A_317] {strides = array<i32>} : memref<5024xf32, #tpu.memory_space<vmem>>, vector<16xf32>,
          tpu.vector_store %arg10[%swap3A_317], %broadcast_in_dim3A_7 {add = true, strides = array<i32>} : memref<5024xf32, #tpu.memory_space<vmem>>, vector<16xf32>,
          %while3A_319 = arith.constant 0 : i32
          scf.yield %while3A_319 : i32
        }
        %while3A_156 = arith.constant 1 : i32
        %while3A_157 = scf.for %while3A_159 = %while3A_153 to %while3A_149 step %while3A_156 iter_args(%while3A_160 = %while3A_155) -> (i32)  : i32 {
          %add3A_161 = arith.addi %mul3A_88, %while3A_159 : i32
          %get3A_162 = arith.index_cast %add3A_161 : i32 to index
          %get3A_163 = tpu.vector_load %arg14[%get3A_162] {strides = array<i32>} : memref<4016xi32, #tpu.memory_space<vmem>>, vector<16xi32>,
          %slice3A = vector.extract_strided_slice %get3A_163 {offsets = [0], sizes = [1], strides = [1]} : vector<16xi32> to vector<1xi32>
          %squeeze3A = vector.extract %slice3A[0] : i32 from vector<1xi32>
          %mul3A_164 = arith.constant 128 : i32
          %mul3A_165 = arith.muli %squeeze3A, %mul3A_164 : i32
          %get3A_166 = arith.index_cast %while3A_159 : i32 to index
          %get3A_167 = arith.constant 0 : index
          %get3A_168 = tpu.vector_load %arg15[%get3A_166, %get3A_167] {strides = array<i32>} : memref<128x128xf32, #tpu.memory_space<vmem>>, vector<16xf32>,
          %add3A_169 = arith.constant 0 : i32
          %add3A_170 = arith.addi %mul3A_165, %add3A_169 : i32
          %swap3A_171 = arith.index_cast %add3A_170 : i32 to index
          %swap3A_172 = tpu.vector_load %arg8[%swap3A_171] {strides = array<i32>} : memref<40192xf32, #tpu.memory_space<vmem>>, vector<16xf32>,
          tpu.vector_store %arg8[%swap3A_171], %get3A_168 {add = true, strides = array<i32>} : memref<40192xf32, #tpu.memory_space<vmem>>, vector<16xf32>,
          %add3A_173 = arith.constant 0 : i32
          %add3A_174 = arith.addi %mul3A_165, %add3A_173 : i32
          %get3A_175 = arith.index_cast %add3A_174 : i32 to index
          %get3A_176 = tpu.vector_load %arg9[%get3A_175] {strides = array<i32>} : memref<40192xf32, #tpu.memory_space<vmem>>, vector<16xf32>,
          %max3A = arith.maximumf %get3A_176, %get3A_168 : vector<16xf32>
          %add3A_177 = arith.constant 0 : i32
          %add3A_178 = arith.addi %mul3A_165, %add3A_177 : i32
          %swap3A_179 = arith.index_cast %add3A_178 : i32 to index
          %swap3A_180 = tpu.vector_load %arg9[%swap3A_179] {strides = array<i32>} : memref<40192xf32, #tpu.memory_space<vmem>>, vector<16xf32>,
          tpu.vector_store %arg9[%swap3A_179], %max3A {strides = array<i32>} : memref<40192xf32, #tpu.memory_space<vmem>>, vector<16xf32>,
          %get3A_181 = arith.index_cast %while3A_159 : i32 to index
          %get3A_182 = arith.constant 16 : index
          %get3A_183 = tpu.vector_load %arg15[%get3A_181, %get3A_182] {strides = array<i32>} : memref<128x128xf32, #tpu.memory_space<vmem>>, vector<16xf32>,
          %add3A_184 = arith.constant 16 : i32
          %add3A_185 = arith.addi %mul3A_165, %add3A_184 : i32
          %swap3A_186 = arith.index_cast %add3A_185 : i32 to index
          %swap3A_187 = tpu.vector_load %arg8[%swap3A_186] {strides = array<i32>} : memref<40192xf32, #tpu.memory_space<vmem>>, vector<16xf32>,
          tpu.vector_store %arg8[%swap3A_186], %get3A_183 {add = true, strides = array<i32>} : memref<40192xf32, #tpu.memory_space<vmem>>, vector<16xf32>,
          %add3A_188 = arith.constant 16 : i32
          %add3A_189 = arith.addi %mul3A_165, %add3A_188 : i32
          %get3A_190 = arith.index_cast %add3A_189 : i32 to index
          %get3A_191 = tpu.vector_load %arg9[%get3A_190] {strides = array<i32>} : memref<40192xf32, #tpu.memory_space<vmem>>, vector<16xf32>,
          %max3A_192 = arith.maximumf %get3A_191, %get3A_183 : vector<16xf32>
          %add3A_193 = arith.constant 16 : i32
          %add3A_194 = arith.addi %mul3A_165, %add3A_193 : i32
          %swap3A_195 = arith.index_cast %add3A_194 : i32 to index
          %swap3A_196 = tpu.vector_load %arg9[%swap3A_195] {strides = array<i32>} : memref<40192xf32, #tpu.memory_space<vmem>>, vector<16xf32>,
          tpu.vector_store %arg9[%swap3A_195], %max3A_192 {strides = array<i32>} : memref<40192xf32, #tpu.memory_space<vmem>>, vector<16xf32>,
          %get3A_197 = arith.index_cast %while3A_159 : i32 to index
          %get3A_198 = arith.constant 32 : index
          %get3A_199 = tpu.vector_load %arg15[%get3A_197, %get3A_198] {strides = array<i32>} : memref<128x128xf32, #tpu.memory_space<vmem>>, vector<16xf32>,
          %add3A_200 = arith.constant 32 : i32
          %add3A_201 = arith.addi %mul3A_165, %add3A_200 : i32
          %swap3A_202 = arith.index_cast %add3A_201 : i32 to index
          %swap3A_203 = tpu.vector_load %arg8[%swap3A_202] {strides = array<i32>} : memref<40192xf32, #tpu.memory_space<vmem>>, vector<16xf32>,
          tpu.vector_store %arg8[%swap3A_202], %get3A_199 {add = true, strides = array<i32>} : memref<40192xf32, #tpu.memory_space<vmem>>, vector<16xf32>,
          %add3A_204 = arith.constant 32 : i32
          %add3A_205 = arith.addi %mul3A_165, %add3A_204 : i32
          %get3A_206 = arith.index_cast %add3A_205 : i32 to index
          %get3A_207 = tpu.vector_load %arg9[%get3A_206] {strides = array<i32>} : memref<40192xf32, #tpu.memory_space<vmem>>, vector<16xf32>,
          %max3A_208 = arith.maximumf %get3A_207, %get3A_199 : vector<16xf32>
          %add3A_209 = arith.constant 32 : i32
          %add3A_210 = arith.addi %mul3A_165, %add3A_209 : i32
          %swap3A_211 = arith.index_cast %add3A_210 : i32 to index
          %swap3A_212 = tpu.vector_load %arg9[%swap3A_211] {strides = array<i32>} : memref<40192xf32, #tpu.memory_space<vmem>>, vector<16xf32>,
          tpu.vector_store %arg9[%swap3A_211], %max3A_208 {strides = array<i32>} : memref<40192xf32, #tpu.memory_space<vmem>>, vector<16xf32>,
          %get3A_213 = arith.index_cast %while3A_159 : i32 to index
          %get3A_214 = arith.constant 48 : index
          %get3A_215 = tpu.vector_load %arg15[%get3A_213, %get3A_214] {strides = array<i32>} : memref<128x128xf32, #tpu.memory_space<vmem>>, vector<16xf32>,
          %add3A_216 = arith.constant 48 : i32
          %add3A_217 = arith.addi %mul3A_165, %add3A_216 : i32
          %swap3A_218 = arith.index_cast %add3A_217 : i32 to index
          %swap3A_219 = tpu.vector_load %arg8[%swap3A_218] {strides = array<i32>} : memref<40192xf32, #tpu.memory_space<vmem>>, vector<16xf32>,
          tpu.vector_store %arg8[%swap3A_218], %get3A_215 {add = true, strides = array<i32>} : memref<40192xf32, #tpu.memory_space<vmem>>, vector<16xf32>,
          %add3A_220 = arith.constant 48 : i32
          %add3A_221 = arith.addi %mul3A_165, %add3A_220 : i32
          %get3A_222 = arith.index_cast %add3A_221 : i32 to index
          %get3A_223 = tpu.vector_load %arg9[%get3A_222] {strides = array<i32>} : memref<40192xf32, #tpu.memory_space<vmem>>, vector<16xf32>,
          %max3A_224 = arith.maximumf %get3A_223, %get3A_215 : vector<16xf32>
          %add3A_225 = arith.constant 48 : i32
          %add3A_226 = arith.addi %mul3A_165, %add3A_225 : i32
          %swap3A_227 = arith.index_cast %add3A_226 : i32 to index
          %swap3A_228 = tpu.vector_load %arg9[%swap3A_227] {strides = array<i32>} : memref<40192xf32, #tpu.memory_space<vmem>>, vector<16xf32>,
          tpu.vector_store %arg9[%swap3A_227], %max3A_224 {strides = array<i32>} : memref<40192xf32, #tpu.memory_space<vmem>>, vector<16xf32>,
          %get3A_229 = arith.index_cast %while3A_159 : i32 to index
          %get3A_230 = arith.constant 64 : index
          %get3A_231 = tpu.vector_load %arg15[%get3A_229, %get3A_230] {strides = array<i32>} : memref<128x128xf32, #tpu.memory_space<vmem>>, vector<16xf32>,
          %add3A_232 = arith.constant 64 : i32
          %add3A_233 = arith.addi %mul3A_165, %add3A_232 : i32
          %swap3A_234 = arith.index_cast %add3A_233 : i32 to index
          %swap3A_235 = tpu.vector_load %arg8[%swap3A_234] {strides = array<i32>} : memref<40192xf32, #tpu.memory_space<vmem>>, vector<16xf32>,
          tpu.vector_store %arg8[%swap3A_234], %get3A_231 {add = true, strides = array<i32>} : memref<40192xf32, #tpu.memory_space<vmem>>, vector<16xf32>,
          %add3A_236 = arith.constant 64 : i32
          %add3A_237 = arith.addi %mul3A_165, %add3A_236 : i32
          %get3A_238 = arith.index_cast %add3A_237 : i32 to index
          %get3A_239 = tpu.vector_load %arg9[%get3A_238] {strides = array<i32>} : memref<40192xf32, #tpu.memory_space<vmem>>, vector<16xf32>,
          %max3A_240 = arith.maximumf %get3A_239, %get3A_231 : vector<16xf32>
          %add3A_241 = arith.constant 64 : i32
          %add3A_242 = arith.addi %mul3A_165, %add3A_241 : i32
          %swap3A_243 = arith.index_cast %add3A_242 : i32 to index
          %swap3A_244 = tpu.vector_load %arg9[%swap3A_243] {strides = array<i32>} : memref<40192xf32, #tpu.memory_space<vmem>>, vector<16xf32>,
          tpu.vector_store %arg9[%swap3A_243], %max3A_240 {strides = array<i32>} : memref<40192xf32, #tpu.memory_space<vmem>>, vector<16xf32>,
          %get3A_245 = arith.index_cast %while3A_159 : i32 to index
          %get3A_246 = arith.constant 80 : index
          %get3A_247 = tpu.vector_load %arg15[%get3A_245, %get3A_246] {strides = array<i32>} : memref<128x128xf32, #tpu.memory_space<vmem>>, vector<16xf32>,
          %add3A_248 = arith.constant 80 : i32
          %add3A_249 = arith.addi %mul3A_165, %add3A_248 : i32
          %swap3A_250 = arith.index_cast %add3A_249 : i32 to index
          %swap3A_251 = tpu.vector_load %arg8[%swap3A_250] {strides = array<i32>} : memref<40192xf32, #tpu.memory_space<vmem>>, vector<16xf32>,
          tpu.vector_store %arg8[%swap3A_250], %get3A_247 {add = true, strides = array<i32>} : memref<40192xf32, #tpu.memory_space<vmem>>, vector<16xf32>,
          %add3A_252 = arith.constant 80 : i32
          %add3A_253 = arith.addi %mul3A_165, %add3A_252 : i32
          %get3A_254 = arith.index_cast %add3A_253 : i32 to index
          %get3A_255 = tpu.vector_load %arg9[%get3A_254] {strides = array<i32>} : memref<40192xf32, #tpu.memory_space<vmem>>, vector<16xf32>,
          %max3A_256 = arith.maximumf %get3A_255, %get3A_247 : vector<16xf32>
          %add3A_257 = arith.constant 80 : i32
          %add3A_258 = arith.addi %mul3A_165, %add3A_257 : i32
          %swap3A_259 = arith.index_cast %add3A_258 : i32 to index
          %swap3A_260 = tpu.vector_load %arg9[%swap3A_259] {strides = array<i32>} : memref<40192xf32, #tpu.memory_space<vmem>>, vector<16xf32>,
          tpu.vector_store %arg9[%swap3A_259], %max3A_256 {strides = array<i32>} : memref<40192xf32, #tpu.memory_space<vmem>>, vector<16xf32>,
          %get3A_261 = arith.index_cast %while3A_159 : i32 to index
          %get3A_262 = arith.constant 96 : index
          %get3A_263 = tpu.vector_load %arg15[%get3A_261, %get3A_262] {strides = array<i32>} : memref<128x128xf32, #tpu.memory_space<vmem>>, vector<16xf32>,
          %add3A_264 = arith.constant 96 : i32
          %add3A_265 = arith.addi %mul3A_165, %add3A_264 : i32
          %swap3A_266 = arith.index_cast %add3A_265 : i32 to index
          %swap3A_267 = tpu.vector_load %arg8[%swap3A_266] {strides = array<i32>} : memref<40192xf32, #tpu.memory_space<vmem>>, vector<16xf32>,
          tpu.vector_store %arg8[%swap3A_266], %get3A_263 {add = true, strides = array<i32>} : memref<40192xf32, #tpu.memory_space<vmem>>, vector<16xf32>,
          %add3A_268 = arith.constant 96 : i32
          %add3A_269 = arith.addi %mul3A_165, %add3A_268 : i32
          %get3A_270 = arith.index_cast %add3A_269 : i32 to index
          %get3A_271 = tpu.vector_load %arg9[%get3A_270] {strides = array<i32>} : memref<40192xf32, #tpu.memory_space<vmem>>, vector<16xf32>,
          %max3A_272 = arith.maximumf %get3A_271, %get3A_263 : vector<16xf32>
          %add3A_273 = arith.constant 96 : i32
          %add3A_274 = arith.addi %mul3A_165, %add3A_273 : i32
          %swap3A_275 = arith.index_cast %add3A_274 : i32 to index
          %swap3A_276 = tpu.vector_load %arg9[%swap3A_275] {strides = array<i32>} : memref<40192xf32, #tpu.memory_space<vmem>>, vector<16xf32>,
          tpu.vector_store %arg9[%swap3A_275], %max3A_272 {strides = array<i32>} : memref<40192xf32, #tpu.memory_space<vmem>>, vector<16xf32>,
          %get3A_277 = arith.index_cast %while3A_159 : i32 to index
          %get3A_278 = arith.constant 112 : index
          %get3A_279 = tpu.vector_load %arg15[%get3A_277, %get3A_278] {strides = array<i32>} : memref<128x128xf32, #tpu.memory_space<vmem>>, vector<16xf32>,
          %add3A_280 = arith.constant 112 : i32
          %add3A_281 = arith.addi %mul3A_165, %add3A_280 : i32
          %swap3A_282 = arith.index_cast %add3A_281 : i32 to index
          %swap3A_283 = tpu.vector_load %arg8[%swap3A_282] {strides = array<i32>} : memref<40192xf32, #tpu.memory_space<vmem>>, vector<16xf32>,
          tpu.vector_store %arg8[%swap3A_282], %get3A_279 {add = true, strides = array<i32>} : memref<40192xf32, #tpu.memory_space<vmem>>, vector<16xf32>,
          %add3A_284 = arith.constant 112 : i32
          %add3A_285 = arith.addi %mul3A_165, %add3A_284 : i32
          %get3A_286 = arith.index_cast %add3A_285 : i32 to index
          %get3A_287 = tpu.vector_load %arg9[%get3A_286] {strides = array<i32>} : memref<40192xf32, #tpu.memory_space<vmem>>, vector<16xf32>,
          %max3A_288 = arith.maximumf %get3A_287, %get3A_279 : vector<16xf32>
          %add3A_289 = arith.constant 112 : i32
          %add3A_290 = arith.addi %mul3A_165, %add3A_289 : i32
          %swap3A_291 = arith.index_cast %add3A_290 : i32 to index
          %swap3A_292 = tpu.vector_load %arg9[%swap3A_291] {strides = array<i32>} : memref<40192xf32, #tpu.memory_space<vmem>>, vector<16xf32>,
          tpu.vector_store %arg9[%swap3A_291], %max3A_288 {strides = array<i32>} : memref<40192xf32, #tpu.memory_space<vmem>>, vector<16xf32>,
          %jit3A_293 = arith.constant 8 : i32
          %div3A_294 = arith.divsi %mul3A_165, %jit3A_293 : i32
          %sign3A_295 = arith.constant 0 : i32
          %sign3A_296 = arith.cmpi sgt, %mul3A_165, %sign3A_295 : i32
          %sign3A_297 = arith.extui %sign3A_296 : i1 to i32
          %sign3A_298 = arith.constant 0 : i32
          %sign3A_299 = arith.cmpi slt, %mul3A_165, %sign3A_298 : i32
          %sign3A_300 = arith.extui %sign3A_299 : i1 to i32
          %sign3A_301 = arith.subi %sign3A_297, %sign3A_300 : i32
          %sign3A_302 = arith.constant 0 : i32
          %sign3A_303 = arith.cmpi sgt, %jit3A_293, %sign3A_302 : i32
          %sign3A_304 = arith.extui %sign3A_303 : i1 to i32
          %sign3A_305 = arith.constant 0 : i32
          %sign3A_306 = arith.cmpi slt, %jit3A_293, %sign3A_305 : i32
          %sign3A_307 = arith.extui %sign3A_306 : i1 to i32
          %sign3A_308 = arith.subi %sign3A_304, %sign3A_307 : i32
          %ne3A_309 = arith.cmpi ne, %sign3A_301, %sign3A_308 : i32
          %rem3A_310 = arith.remsi %mul3A_165, %jit3A_293 : i32
          %ne3A_311 = arith.constant 0 : i32
          %ne3A_312 = arith.cmpi ne, %rem3A_310, %ne3A_311 : i32
          %and3A_313 = arith.andi %ne3A_309, %ne3A_312 : i1
          %sub3A_314 = arith.constant 1 : i32
          %sub3A_315 = arith.subi %div3A_294, %sub3A_314 : i32
          %select_n3A_316 = arith.select %and3A_313, %sub3A_315, %div3A_294 : i32
          %swap3A_317 = arith.index_cast %select_n3A_316 : i32 to index
          %swap3A_318 = tpu.vector_load %arg10[%swap3A_317] {strides = array<i32>} : memref<5024xf32, #tpu.memory_space<vmem>>, vector<16xf32>,
          tpu.vector_store %arg10[%swap3A_317], %broadcast_in_dim3A_7 {add = true, strides = array<i32>} : memref<5024xf32, #tpu.memory_space<vmem>>, vector<16xf32>,
          %while3A_319 = arith.constant 0 : i32
          scf.yield %while3A_319 : i32
        }
        %while3A_158 = arith.constant 0 : i32
        scf.yield %while3A_158 : i32
      }
    }
    %scan3A_28 = arith.constant 80 : i32
    %mul3A_29 = arith.constant 128 : i32
    %mul3A_30 = arith.muli %mul3A_2, %mul3A_29 : i32
    "tpu.region"() ({
      %run_scoped3A = tpu.sem_alloc : memref<!tpu.dma_semaphore, #tpu.memory_space<semaphore_mem>>
      %dma_start3A = arith.constant 0 : i32
      %dma_start3A_35 = tpu.memref_slice %arg8[%dma_start3A] : memref<40192xf32, #tpu.memory_space<vmem>> -> memref<40064xf32, #tpu.memory_space<vmem>>
      %dma_start3A_36 = tpu.memref_slice %arg5[%mul3A_30] : memref<1310720xf32, #tpu.memory_space<hbm>> -> memref<40064xf32, #tpu.memory_space<hbm>>
      %dma_start3A_37 = tpu.memref_slice %arg5[%mul3A_30] : memref<1310720xf32, #tpu.memory_space<hbm>> -> memref<40064xf32, #tpu.memory_space<hbm>>
      %dma_start3A_38 = arith.constant 0 : i32
      %dma_start3A_39 = tpu.memref_slice %arg8[%dma_start3A_38] : memref<40192xf32, #tpu.memory_space<vmem>> -> memref<40064xf32, #tpu.memory_space<vmem>>
      tpu.enqueue_dma source(%dma_start3A_39 : memref<40064xf32, #tpu.memory_space<vmem>>) target(%dma_start3A_37 : memref<40064xf32, #tpu.memory_space<hbm>>) target_semaphore(%run_scoped3A : memref<!tpu.dma_semaphore, #tpu.memory_space<semaphore_mem>>)
      %dma_wait3A = arith.constant 0 : i32
      %dma_wait3A_40 = tpu.memref_slice %arg8[%dma_wait3A] : memref<40192xf32, #tpu.memory_space<vmem>> -> memref<40064xf32, #tpu.memory_space<vmem>>
      %dma_wait3A_41 = tpu.memref_slice %arg5[%mul3A_30] : memref<1310720xf32, #tpu.memory_space<hbm>> -> memref<40064xf32, #tpu.memory_space<hbm>>
      %dma_wait3A_42 = tpu.memref_slice %arg5[%mul3A_30] : memref<1310720xf32, #tpu.memory_space<hbm>> -> memref<40064xf32, #tpu.memory_space<hbm>>
      %dma_wait3A_43 = arith.constant 0 : i32
      %dma_wait3A_44 = tpu.memref_slice %arg8[%dma_wait3A_43] : memref<40192xf32, #tpu.memory_space<vmem>> -> memref<40064xf32, #tpu.memory_space<vmem>>
      tpu.wait_dma2 semaphore(%run_scoped3A : memref<!tpu.dma_semaphore, #tpu.memory_space<semaphore_mem>>) src(%dma_wait3A_44 : memref<40064xf32, #tpu.memory_space<vmem>>) dst(%dma_wait3A_42 : memref<40064xf32, #tpu.memory_space<hbm>>)
      tpu.yield
    }) : () -> ()
    %mul3A_31 = arith.constant 128 : i32
    %mul3A_32 = arith.muli %mul3A_2, %mul3A_31 : i32
    "tpu.region"() ({
      %run_scoped3A = tpu.sem_alloc : memref<!tpu.dma_semaphore, #tpu.memory_space<semaphore_mem>>
      %dma_start3A = arith.constant 0 : i32
      %dma_start3A_35 = tpu.memref_slice %arg9[%dma_start3A] : memref<40192xf32, #tpu.memory_space<vmem>> -> memref<40064xf32, #tpu.memory_space<vmem>>
      %dma_start3A_36 = tpu.memref_slice %arg6[%mul3A_32] : memref<1310720xf32, #tpu.memory_space<hbm>> -> memref<40064xf32, #tpu.memory_space<hbm>>
      %dma_start3A_37 = tpu.memref_slice %arg6[%mul3A_32] : memref<1310720xf32, #tpu.memory_space<hbm>> -> memref<40064xf32, #tpu.memory_space<hbm>>
      %dma_start3A_38 = arith.constant 0 : i32
      %dma_start3A_39 = tpu.memref_slice %arg9[%dma_start3A_38] : memref<40192xf32, #tpu.memory_space<vmem>> -> memref<40064xf32, #tpu.memory_space<vmem>>
      tpu.enqueue_dma source(%dma_start3A_39 : memref<40064xf32, #tpu.memory_space<vmem>>) target(%dma_start3A_37 : memref<40064xf32, #tpu.memory_space<hbm>>) target_semaphore(%run_scoped3A : memref<!tpu.dma_semaphore, #tpu.memory_space<semaphore_mem>>)
      %dma_wait3A = arith.constant 0 : i32
      %dma_wait3A_40 = tpu.memref_slice %arg9[%dma_wait3A] : memref<40192xf32, #tpu.memory_space<vmem>> -> memref<40064xf32, #tpu.memory_space<vmem>>
      %dma_wait3A_41 = tpu.memref_slice %arg6[%mul3A_32] : memref<1310720xf32, #tpu.memory_space<hbm>> -> memref<40064xf32, #tpu.memory_space<hbm>>
      %dma_wait3A_42 = tpu.memref_slice %arg6[%mul3A_32] : memref<1310720xf32, #tpu.memory_space<hbm>> -> memref<40064xf32, #tpu.memory_space<hbm>>
      %dma_wait3A_43 = arith.constant 0 : i32
      %dma_wait3A_44 = tpu.memref_slice %arg9[%dma_wait3A_43] : memref<40192xf32, #tpu.memory_space<vmem>> -> memref<40064xf32, #tpu.memory_space<vmem>>
      tpu.wait_dma2 semaphore(%run_scoped3A : memref<!tpu.dma_semaphore, #tpu.memory_space<semaphore_mem>>) src(%dma_wait3A_44 : memref<40064xf32, #tpu.memory_space<vmem>>) dst(%dma_wait3A_42 : memref<40064xf32, #tpu.memory_space<hbm>>)
      tpu.yield
    }) : () -> ()
    %mul3A_33 = arith.constant 16 : i32
    %mul3A_34 = arith.muli %mul3A_2, %mul3A_33 : i32
    "tpu.region"() ({
      %run_scoped3A = tpu.sem_alloc : memref<!tpu.dma_semaphore, #tpu.memory_space<semaphore_mem>>
      %dma_start3A = arith.constant 0 : i32
      %dma_start3A_35 = tpu.memref_slice %arg10[%dma_start3A] : memref<5024xf32, #tpu.memory_space<vmem>> -> memref<5008xf32, #tpu.memory_space<vmem>>
      %dma_start3A_36 = tpu.memref_slice %arg7[%mul3A_34] : memref<163840xf32, #tpu.memory_space<hbm>> -> memref<5008xf32, #tpu.memory_space<hbm>>
      %dma_start3A_37 = tpu.memref_slice %arg7[%mul3A_34] : memref<163840xf32, #tpu.memory_space<hbm>> -> memref<5008xf32, #tpu.memory_space<hbm>>
      %dma_start3A_38 = arith.constant 0 : i32
      %dma_start3A_39 = tpu.memref_slice %arg10[%dma_start3A_38] : memref<5024xf32, #tpu.memory_space<vmem>> -> memref<5008xf32, #tpu.memory_space<vmem>>
      tpu.enqueue_dma source(%dma_start3A_39 : memref<5008xf32, #tpu.memory_space<vmem>>) target(%dma_start3A_37 : memref<5008xf32, #tpu.memory_space<hbm>>) target_semaphore(%run_scoped3A : memref<!tpu.dma_semaphore, #tpu.memory_space<semaphore_mem>>)
      %dma_wait3A = arith.constant 0 : i32
      %dma_wait3A_40 = tpu.memref_slice %arg10[%dma_wait3A] : memref<5024xf32, #tpu.memory_space<vmem>> -> memref<5008xf32, #tpu.memory_space<vmem>>
      %dma_wait3A_41 = tpu.memref_slice %arg7[%mul3A_34] : memref<163840xf32, #tpu.memory_space<hbm>> -> memref<5008xf32, #tpu.memory_space<hbm>>
      %dma_wait3A_42 = tpu.memref_slice %arg7[%mul3A_34] : memref<163840xf32, #tpu.memory_space<hbm>> -> memref<5008xf32, #tpu.memory_space<hbm>>
      %dma_wait3A_43 = arith.constant 0 : i32
      %dma_wait3A_44 = tpu.memref_slice %arg10[%dma_wait3A_43] : memref<5024xf32, #tpu.memory_space<vmem>> -> memref<5008xf32, #tpu.memory_space<vmem>>
      tpu.wait_dma2 semaphore(%run_scoped3A : memref<!tpu.dma_semaphore, #tpu.memory_space<semaphore_mem>>) src(%dma_wait3A_44 : memref<5008xf32, #tpu.memory_space<vmem>>) dst(%dma_wait3A_42 : memref<5008xf32, #tpu.memory_space<hbm>>)
      tpu.yield
    }) : () -> ()
    return
  }
}

module attributes {stable_mosaic.version = 14 : i64} {
  func.func @body(%arg0: i32, %arg1: memref<1024x128xf32, #tpu.memory_space<vmem>>, %arg2: memref<1024x128xf32, #tpu.memory_space<vmem>>, %arg3: memref<1024x16xf32, #tpu.memory_space<vmem>>, %arg4: memref<384x128xf32, #tpu.memory_space<vmem>>, %arg5: memref<384x128xf32, #tpu.memory_space<vmem>>, %arg6: memref<1x128xf32, #tpu.memory_space<vmem>>, %arg7: memref<1x128xf32, #tpu.memory_space<vmem>>, %arg8: memref<1x128xf32, #tpu.memory_space<vmem>>, %arg9: memref<1024x128xf32, #tpu.memory_space<vmem>>) attributes {dimension_semantics = [#tpu.dimension_semantics<arbitrary>], iteration_bounds = array<i64: 10>, scalar_prefetch = 0 : i64, scratch_operands = 0 : i64, tpu.core_type = #tpu.core_type<tc>, window_params = [{transform_indices = @transform_0, window_bounds = array<i64: 1024, 128>}, {transform_indices = @transform_1, window_bounds = array<i64: 1024, 128>}, {transform_indices = @transform_2, window_bounds = array<i64: 1024, 16>}, {pipeline_mode = #tpu.pipeline_mode<synchronous>, transform_indices = @transform_3, window_bounds = array<i64: 384, 128>}, {pipeline_mode = #tpu.pipeline_mode<synchronous>, transform_indices = @transform_4, window_bounds = array<i64: 384, 128>}, {pipeline_mode = #tpu.pipeline_mode<synchronous>, transform_indices = @transform_5, window_bounds = array<i64: 1, 128>}, {pipeline_mode = #tpu.pipeline_mode<synchronous>, transform_indices = @transform_6, window_bounds = array<i64: 1, 128>}, {pipeline_mode = #tpu.pipeline_mode<synchronous>, transform_indices = @transform_7, window_bounds = array<i64: 1, 128>}, {transform_indices = @transform_8, window_bounds = array<i64: 1024, 128>}]} {
    %get3A = arith.constant 0 : index
    %get3A_0 = arith.constant 0 : index
    %get3A_1 = vector.load %arg3[%get3A, %get3A_0] : memref<1024x16xf32, #tpu.memory_space<vmem>>, vector<1024x1xf32>
    %max3A = arith.constant 1.000000e+00 : f32
    %max3A_2 = vector.broadcast %max3A : f32 to vector<1024x1xf32>
    %max3A_3 = arith.maximumf %get3A_1, %max3A_2 : vector<1024x1xf32>
    %add3A = arith.constant 1.000000e+00 : f32
    %add3A_4 = vector.broadcast %add3A : f32 to vector<1024x1xf32>
    %add3A_5 = arith.addf %max3A_3, %add3A_4 : vector<1024x1xf32>
    %log3A = math.log %add3A_5 : vector<1024x1xf32>
    %mul3A = arith.constant 0.434294492 : f32
    %mul3A_6 = vector.broadcast %mul3A : f32 to vector<1024x1xf32>
    %mul3A_7 = arith.mulf %log3A, %mul3A_6 : vector<1024x1xf32>
    %get3A_8 = arith.constant 0 : index
    %get3A_9 = arith.constant 0 : index
    %get3A_10 = vector.load %arg1[%get3A_8, %get3A_9] : memref<1024x128xf32, #tpu.memory_space<vmem>>, vector<1024x128xf32>
    %gt3A = arith.constant 0.000000e+00 : f32
    %gt3A_11 = vector.broadcast %gt3A : f32 to vector<1024x1xf32>
    %gt3A_12 = arith.cmpf ogt, %get3A_1, %gt3A_11 : vector<1024x1xf32>
    %get3A_13 = arith.constant 0 : index
    %get3A_14 = arith.constant 0 : index
    %get3A_15 = vector.load %arg2[%get3A_13, %get3A_14] : memref<1024x128xf32, #tpu.memory_space<vmem>>, vector<1024x128xf32>
    %jit3A = arith.constant 0.000000e+00 : f32
    %broadcast_in_dim3A = vector.shape_cast %gt3A_12 : vector<1024x1xi1> to vector<1024x1xi1>
    %broadcast_in_dim3A_16 = vector.broadcast %broadcast_in_dim3A : vector<1024x1xi1> to vector<1024x128xi1>
    %broadcast_in_dim3A_17 = vector.broadcast %jit3A : f32 to vector<1024x128xf32>
    %select_n3A = arith.select %broadcast_in_dim3A_16, %get3A_15, %broadcast_in_dim3A_17 : vector<1024x128xi1>, vector<1024x128xf32>
    %div3A = vector.broadcast %max3A_3 : vector<1024x1xf32> to vector<1024x128xf32>
    %div3A_18 = arith.divf %get3A_10, %div3A : vector<1024x128xf32>
    %concatenate3A = tpu.concatenate %div3A_18, %select_n3A, %get3A_10 in 1 : vector<1024x128xf32>, vector<1024x128xf32>, vector<1024x128xf32> -> vector<1024x384xf32>
    %get3A_19 = arith.constant 0 : index
    %get3A_20 = arith.constant 0 : index
    %get3A_21 = vector.load %arg4[%get3A_19, %get3A_20] : memref<384x128xf32, #tpu.memory_space<vmem>>, vector<384x128xf32>
    %dot_general3A = arith.constant dense<0.000000e+00> : vector<1024x128xf32>
    %dot_general3A_22 = tpu.matmul %concatenate3A, %get3A_21, %dot_general3A {dimension_numbers = #tpu.dot_dimension_numbers<[1], [0], [0], [1], [0, 0, 1, 1], [], []>, precision = #tpu.contract_precision<fp32>, transpose_lhs_hint = false} : vector<1024x384xf32>, vector<384x128xf32>, vector<1024x128xf32> -> vector<1024x128xf32>
    %get3A_23 = arith.constant 0 : index
    %get3A_24 = arith.constant 0 : index
    %get3A_25 = vector.load %arg5[%get3A_23, %get3A_24] : memref<384x128xf32, #tpu.memory_space<vmem>>, vector<384x128xf32>
    %dot_general3A_26 = arith.constant dense<0.000000e+00> : vector<1024x128xf32>
    %dot_general3A_27 = tpu.matmul %concatenate3A, %get3A_25, %dot_general3A_26 {dimension_numbers = #tpu.dot_dimension_numbers<[1], [0], [0], [1], [0, 0, 1, 1], [], []>, precision = #tpu.contract_precision<fp32>, transpose_lhs_hint = false} : vector<1024x384xf32>, vector<384x128xf32>, vector<1024x128xf32> -> vector<1024x128xf32>
    %mul3A_28 = vector.broadcast %mul3A_7 : vector<1024x1xf32> to vector<1024x128xf32>
    %mul3A_29 = arith.mulf %mul3A_28, %dot_general3A_27 : vector<1024x128xf32>
    %add3A_30 = arith.addf %dot_general3A_22, %mul3A_29 : vector<1024x128xf32>
    %get3A_31 = arith.constant 0 : index
    %get3A_32 = arith.constant 0 : index
    %get3A_33 = vector.load %arg6[%get3A_31, %get3A_32] : memref<1x128xf32, #tpu.memory_space<vmem>>, vector<1x128xf32>
    %add3A_34 = vector.broadcast %get3A_33 : vector<1x128xf32> to vector<1024x128xf32>
    %add3A_35 = arith.addf %add3A_30, %add3A_34 : vector<1024x128xf32>
    %max3A_36 = arith.constant 0.000000e+00 : f32
    %max3A_37 = vector.broadcast %max3A_36 : f32 to vector<1024x128xf32>
    %max3A_38 = arith.maximumf %add3A_35, %max3A_37 : vector<1024x128xf32>
    %get3A_39 = arith.constant 0 : index
    %get3A_40 = arith.constant 0 : index
    %get3A_41 = vector.load %arg7[%get3A_39, %get3A_40] : memref<1x128xf32, #tpu.memory_space<vmem>>, vector<1x128xf32>
    %mul3A_42 = vector.broadcast %get3A_41 : vector<1x128xf32> to vector<1024x128xf32>
    %mul3A_43 = arith.mulf %max3A_38, %mul3A_42 : vector<1024x128xf32>
    %get3A_44 = arith.constant 0 : index
    %get3A_45 = arith.constant 0 : index
    %get3A_46 = vector.load %arg8[%get3A_44, %get3A_45] : memref<1x128xf32, #tpu.memory_space<vmem>>, vector<1x128xf32>
    %add3A_47 = vector.broadcast %get3A_46 : vector<1x128xf32> to vector<1024x128xf32>
    %add3A_48 = arith.addf %mul3A_43, %add3A_47 : vector<1024x128xf32>
    %swap3A = arith.constant 0 : index
    %swap3A_49 = arith.constant 0 : index
    %swap3A_50 = vector.load %arg9[%swap3A, %swap3A_49] : memref<1024x128xf32, #tpu.memory_space<vmem>>, vector<1024x128xf32>
    tpu.vector_store %arg9[%swap3A, %swap3A_49], %add3A_48 {strides = array<i32>} : memref<1024x128xf32, #tpu.memory_space<vmem>>, vector<1024x128xf32>,
    return
  }
  func.func @transform_0(%arg0: i32) -> (i32, i32) {
    %c0_i32 = arith.constant 0 : i32
    %c0_i32_0 = arith.constant 0 : i32
    return %arg0, %c0_i32 : i32, i32
  }
  func.func @transform_1(%arg0: i32) -> (i32, i32) {
    %c0_i32 = arith.constant 0 : i32
    %c0_i32_0 = arith.constant 0 : i32
    return %arg0, %c0_i32 : i32, i32
  }
  func.func @transform_2(%arg0: i32) -> (i32, i32) {
    %c0_i32 = arith.constant 0 : i32
    %c0_i32_0 = arith.constant 0 : i32
    return %arg0, %c0_i32 : i32, i32
  }
  func.func @transform_3(%arg0: i32) -> (i32, i32) {
    %c0_i32 = arith.constant 0 : i32
    %c0_i32_0 = arith.constant 0 : i32
    %c0_i32_1 = arith.constant 0 : i32
    return %c0_i32, %c0_i32_0 : i32, i32
  }
  func.func @transform_4(%arg0: i32) -> (i32, i32) {
    %c0_i32 = arith.constant 0 : i32
    %c0_i32_0 = arith.constant 0 : i32
    %c0_i32_1 = arith.constant 0 : i32
    return %c0_i32, %c0_i32_0 : i32, i32
  }
  func.func @transform_5(%arg0: i32) -> (i32, i32) {
    %c0_i32 = arith.constant 0 : i32
    %c0_i32_0 = arith.constant 0 : i32
    %c0_i32_1 = arith.constant 0 : i32
    return %c0_i32, %c0_i32_0 : i32, i32
  }
  func.func @transform_6(%arg0: i32) -> (i32, i32) {
    %c0_i32 = arith.constant 0 : i32
    %c0_i32_0 = arith.constant 0 : i32
    %c0_i32_1 = arith.constant 0 : i32
    return %c0_i32, %c0_i32_0 : i32, i32
  }
  func.func @transform_7(%arg0: i32) -> (i32, i32) {
    %c0_i32 = arith.constant 0 : i32
    %c0_i32_0 = arith.constant 0 : i32
    %c0_i32_1 = arith.constant 0 : i32
    return %c0_i32, %c0_i32_0 : i32, i32
  }
  func.func @transform_8(%arg0: i32) -> (i32, i32) {
    %c0_i32 = arith.constant 0 : i32
    %c0_i32_0 = arith.constant 0 : i32
    return %arg0, %c0_i32 : i32, i32
  }
}

</mosaic_0001>

<sc_bundles>
// kernel: kernel.4.cloned.1.call-start
scs
__scs_entry_jumppad:
0x0: {  	(pc) =	sbr.rel $0x88, $3  }
0x1: {  	(tag) =	ssettag $0x0;
	lr =	simm.s32 $0x1  }
0x2: {  	[smem:$0x3F99] =	sst lr;
	_ =	strace $0xD0000000  }
0x3: {  	_ = 	snop  }
0x4: {  	_ = 	snop  }
0x5: {  	_ = 	snop  }
0x6: {  	_ = 	snop  }
0x7: {  	_ = 	snop  }
__scs_overlays_trampoline_lowered:
0x8: {  	[smem:$0x3FA8] =	sst s0  }
0x9: {  	[smem:$0x3FA9] =	sst s1  }
0xa: {  	[smem:$0x3FAA] =	sst s2  }
0xb: {  	[smem:$0x3FAB] =	sst s3  }
0xc: {  	[smem:$0x3FAC] =	sst s4  }
0xd: {  	[smem:$0x3FAD] =	sst s5  }
0xe: {  	[smem:$0x3FAE] =	sst s6  }
0xf: {  	[smem:$0x3FAF] =	sst s7  }
0x10: {  	[smem:$0x3FB0] =	sst s8  }
0x11: {  	[smem:$0x3FB1] =	sst s9;
	s0 =	simm.s32 @!p0 $0x0  }
0x12: {  	s1 =	sld [smem:$0x3F97];
	s0 =	simm.s32 @p0 $0x1  }
0x13: {  	[smem:$0x3FB2] =	sst s0;
	s0 =	simm.s32 @!p1 $0x0  }
0x14: {  	s2 =	sld [smem:$0x3F96];
	s0 =	simm.s32 @p1 $0x1  }
0x15: {  	[smem:$0x3FB3] =	sst s0;
	s0 =	simm.s32 @!p2 $0x0  }
0x16: {  	s3 =	sld [smem:$0x3FDB];
	s0 =	simm.s32 @p2 $0x1  }
0x17: {  	s4 =	simm.s32 $0x1BF5;
	[smem:$0x3FB5] =	sst s0  }
0x18: {  	s0 =	sld [smem:$0x3F98];
	_ =	swait.ge [sflag:s4], $0x0  }
0x19: {  	s7 =	sld [smem:$0x3F99]  }
0x1a: {  	s8 =	sadd.s32 $0xFFFFE003, lr  }
0x1b: {  	s9 =	sadd.s32 $0xFFFFFEF7, lr;
	s5 =	simm.s32 $0xFFFFFFFF;
	p2 =	slt.u32 s8, $0xFFFFF086  }
0x1c: {  	p1 =	slt.u32 s9, $0xF7A;
	s5 =	simm.s32 @!p2 $0x0  }
0x1d: {  	s5 =	simm.s32 @p1 $0x1;
	p0 =	seq.s32 s7, s2  }
0x1e: {  	s7 =	smul.u32 @!p0 $0xF7A, s2;
	p2 =	seq.s32 @!p0 s5, $0x0  }
0x1f: {  	s9 =	smul.u32 $0xF7A, s1;
	s8 =	simm.s32 @!p0 $0x1BF5;
	p2 =	por !p2, p0  }
0x20: {  	[sflag:s8] =	ssyncset.s32 @!p0 $0xFFFFF086;
	s6 =	sadd.s32 @!p0 s3, s7;
	s7 =	simm.s32 @!p0 $0x108  }
0x21: {  	s3 =	sadd.s32 s3, s9;
	s6 =	sadd.s32 @!p0 $0x88, s6;
	s7 =	simm.s32 @p2 $0x1082  }
0x22: {  	[simem:s7], [sflag:s8] =	dma.local @!p0 [hbm:s6], $0xF7A  }
0x23: {  	s9 =	sor.u32 $0xD0000000, s2;
	s6 =	simm.s32 $0x108;
	_ =	swait.ge @!p0 [sflag:s8], $0x0  }
0x24: {  	s3 =	sadd.s32 $0x88, s3;
	s6 =	simm.s32 @!p1 $0x1082;
	[sflag:s4] =	ssyncset.s32 $0xFFFFF086  }
0x25: {  	[simem:s6], [sflag:s4] =	dma.local [hbm:s3], $0xF7A  }
0x26: {  	[smem:$0x3F99] =	sst s1;
	(tag) =	ssettag s2;
	_ =	strace s9  }
0x27: {  	s1 =	sld [smem:$0x3FA9]  }
0x28: {  	s2 =	sld [smem:$0x3FAA]  }
0x29: {  	s4 =	sld [smem:$0x3FAC]  }
0x2a: {  	p0 =	seq.s32 s5, $0x0;
	s5 =	sld [smem:$0x3FAD]  }
0x2b: {  	s6 =	sld [smem:$0x3FAE]  }
0x2c: {  	s7 =	sld [smem:$0x3FAF]  }
0x2d: {  	s3 =	simm.s32 $0x108;
	s8 =	sld [smem:$0x3FB0]  }
0x2e: {  	s3 =	simm.s32 @!p0 $0x1082;
	s9 =	sld [smem:$0x3FB1]  }
0x2f: {  	lr =	sadd.s32 s0, s3;
	s0 =	sld [smem:$0x3FA8]  }
0x30: {  	s3 =	sld [smem:$0x3FAB]  }
0x31: {  	[smem:$0x3FB4] =	sst s10  }
0x32: {  	s10 =	sld [smem:$0x3FB2];
	_ =	sdelay $0x3  }
0x33: {  	p0 =	seq.s32 s10, $0x1;
	s10 =	sld [smem:$0x3FB4];
	_ =	sdelay $0x3  }
0x34: {  	[smem:$0x3FB4] =	sst s10  }
0x35: {  	s10 =	sld [smem:$0x3FB3];
	_ =	sdelay $0x3  }
0x36: {  	p1 =	seq.s32 s10, $0x1;
	s10 =	sld [smem:$0x3FB4];
	_ =	sdelay $0x3  }
0x37: {  	[smem:$0x3FB4] =	sst s10  }
0x38: {  	s10 =	sld [smem:$0x3FB5]  }
0x39: {  	_ = 	snop;
	(pc) =	sbr.ind lr, $3  }
0x3a: {  	_ = 	snop  }
0x3b: {  	_ = 	snop  }
0x3c: {  	p2 =	seq.s32 s10, $0x1;
	s10 =	sld [smem:$0x3FB4]  }
0x3d: {  	_ =	shalt  }
0x3e: {  	_ =	shalt  }
0x3f: {  	_ =	shalt  }
0x40: {  	_ =	shalt  }
0x41: {  	_ =	shalt  }
0x42: {  	_ =	shalt  }
0x43: {  	_ =	shalt  }
0x44: {  	_ =	shalt  }
0x45: {  	_ =	shalt  }
0x46: {  	_ =	shalt  }
0x47: {  	_ =	shalt  }
0x48: {  	_ =	shalt  }
0x49: {  	_ =	shalt  }
0x4a: {  	_ =	shalt  }
0x4b: {  	_ =	shalt  }
0x4c: {  	_ =	shalt  }
0x4d: {  	_ =	shalt  }
0x4e: {  	_ =	shalt  }
0x4f: {  	_ =	shalt  }
0x50: {  	_ =	shalt  }
0x51: {  	_ =	shalt  }
0x52: {  	_ =	shalt  }
0x53: {  	_ =	shalt  }
0x54: {  	_ =	shalt  }
0x55: {  	_ =	shalt  }
0x56: {  	_ =	shalt  }
0x57: {  	_ =	shalt  }
0x58: {  	_ =	shalt  }
0x59: {  	_ =	shalt  }
0x5a: {  	_ =	shalt  }
0x5b: {  	_ =	shalt  }
0x5c: {  	_ =	shalt  }
0x5d: {  	_ =	shalt  }
0x5e: {  	_ =	shalt  }
0x5f: {  	_ =	shalt  }
0x60: {  	_ =	shalt  }
0x61: {  	_ =	shalt  }
0x62: {  	_ =	shalt  }
0x63: {  	_ =	shalt  }
0x64: {  	_ =	shalt  }
0x65: {  	_ =	shalt  }
0x66: {  	_ =	shalt  }
0x67: {  	_ =	shalt  }
0x68: {  	_ =	shalt  }
0x69: {  	_ =	shalt  }
0x6a: {  	_ =	shalt  }
0x6b: {  	_ =	shalt  }
0x6c: {  	_ =	shalt  }
0x6d: {  	_ =	shalt  }
0x6e: {  	_ =	shalt  }
0x6f: {  	_ =	shalt  }
0x70: {  	_ =	shalt  }
0x71: {  	_ =	shalt  }
0x72: {  	_ =	shalt  }
0x73: {  	_ =	shalt  }
0x74: {  	_ =	shalt  }
0x75: {  	_ =	shalt  }
0x76: {  	_ =	shalt  }
0x77: {  	_ =	shalt  }
0x78: {  	_ =	shalt  }
0x79: {  	_ =	shalt  }
0x7a: {  	_ =	shalt  }
0x7b: {  	_ =	shalt  }
0x7c: {  	_ =	shalt  }
0x7d: {  	_ =	shalt  }
0x7e: {  	_ =	shalt  }
0x7f: {  	_ =	shalt  }
0x80: {  	_ =	shalt  }
0x81: {  	_ =	shalt  }
0x82: {  	_ =	shalt  }
0x83: {  	_ =	shalt  }
0x84: {  	_ =	shalt  }
0x85: {  	_ =	shalt  }
0x86: {  	_ =	shalt  }
0x87: {  	_ =	shalt  }
.Lfunc_end0:
.L_simem_size_0:
called_computation_lowered:
.L_overlay_start_0:
0x88: {  	s2 =	sld [smem:$0x3FD9]  }
0x89: {  	s3 =	sld [smem:$0x3FFE];
	_ =	sdelay $0x1  }
0x8a: {  	s1 =	srdreg.scid  }
0x8b: {  	s0 =	sand.u32 $0x1, s1  }
0x8c: {  	s17 =	sshll.u32 s0, $0xA;
	s2 =	sadd.s32 s3, s2  }
0x8d: {  	s2 =	sadd.s32 s2, s17  }
0x8e: {  	[smem:$0x3FC0] =	sst s2  }
0x8f: {  	_ = 	snop  }
0x90: {  	s2 =	sld [smem:$0x3FC9]  }
0x91: {  	s18 =	sld [smem:$0x3FD0];
	(tm) =	ssettm $0x1  }
0x92: {  	s4 =	sld [smem:$0x3FFB];
	_ =	sdelay $0x3  }
0x93: {  	_ =	strace s4  }
0x94: {  	s4 =	sld [smem:$0x3FFC];
	_ =	sdelay $0x3  }
0x95: {  	_ =	strace s4  }
0x96: {  	s4 =	sld [smem:$0x3FFD];
	_ =	sdelay $0x3  }
0x97: {  	_ =	strace s4  }
0x98: {  	_ =	strace $0x8FFFFFFF  }
0x99: {  	s19 =	sld [smem:$0x3FDB];
	_ =	sdelay $0x1  }
0x9a: {  	s5 =	simm.s32 $_scs_section_size  }
0x9b: {  	s6 =	simm.s32 $_size__tile_overlayer_lowered;
	s7 =	simm.s32 $_tile_overlayer_lowered  }
0x9c: {  	s22 =	simm.s32 $0x1BFF;
	s21 =	sshll.u32 s7, $0x1;
	s4 =	sadd.s32 s5, s19  }
0x9d: {  	s8 =	simm.s32 $0x0;
	s20 =	sshll.u32 s6, $0x1;
	s6 =	sadd.s32 s21, s4  }
0x9e: {  	[timem:s8], [sflag:s22] =	dma.local [hbm:s6], s20  }
0x9f: {  	_ =	swait.ge [sflag:s22], s20  }
0xa0: {  	s5 =	ssub.s32 $0x0, s20;
	[sflag:s22] =	ssyncset.done $0x0  }
0xa1: {  	[sflag:s22] =	ssyncadd.s32 s5;
	_ =	sdelay $0x1  }
0xa2: {  	s23 =	simm.s32 $0x1B8B  }
0xa3: {  	_ =	swait.ge [sflag:s23], $0x1  }
0xa4: {  	[sflag:s23] =	ssyncset.done $0x0  }
0xa5: {  	s25 =	simm.s32 $0x1B8E;
	s24 =	sld [smem:$0x3FFE];
	[sflag:s23] =	ssyncadd.s32 $0xFFFFFFFF  }
0xa6: {  	s26 =	simm.s32 $execute0_lowered;
	[smem:$0x3FD2] =	sst s25  }
0xa7: {  	s6 =	sshll.u32 s26, $0x1;
	_ =	strace $0x80000046;
	[dreg:$0x1] =	wrdreg $0xFFFFFFFF  }
0xa8: {  	s28 =	simm.s32 $_size_execute0_lowered;
	s4 =	sadd.s32 s4, s6;
	[dreg:$0x0] =	wrdreg $0x0  }
0xa9: {  	s6 =	sshll.u32 s28, $0x1;
	[dreg:$0x2] =	wrdreg s4  }
0xaa: {  	[dreg:$0x3] =	wrdreg s6  }
0xab: {  	[dreg:$0x4] =	wrdreg $0xC0  }
0xac: {  	_ =	task [dreg:s8], $0x5FFFF  }
0xad: {  	[dreg:$0x1] =	wrdreg $0xFFFFFFFF  }
0xae: {  	[dreg:$0x0] =	wrdreg $0x60  }
0xaf: {  	[dreg:$0x2] =	wrdreg s2  }
0xb0: {  	[dreg:$0x3] =	wrdreg s24  }
0xb1: {  	[dreg:$0x4] =	wrdreg s18  }
0xb2: {  	[dreg:$0x5] =	wrdreg $0x9  }
0xb3: {  	_ =	task.clear_ibuf [dreg:s8], $0x6FFFF;
	_ =	strace $0x90000046  }
0xb4: {  	s29 =	simm.s32 $0x9;
	_ =	strace $0x80000048  }
0xb5: {  	_ =	swait.ge [sflag:s29], $0x1  }
0xb6: {  	[sflag:s29] =	ssyncadd.s32 $0xFFFFFFFF  }
0xb7: {  	_ =	strace $0x90000048  }
0xb8: {  	_ =	sfence  }
0xb9: {  	s30 =	sld [smem:$0x0];
	_ =	sdelay $0x2  }
0xba: {  	s31 =	sshll.u32 s1, $0xD;
	s1 =	sshrl.u32 s1, $0x2  }
0xbb: {  	s3 =	sand.u32 $0x4000, s31;
	s1 =	sadd.s32 s1, s30  }
0xbc: {  	s0 =	sor.u32 s3, s0;
	s1 =	sshll.u32 s1, $0x11  }
0xbd: {  	s0 =	sor.u32 s1, s0  }
0xbe: {  	s0 =	sadd.s32 $0x8F2B, s0  }
0xbf: {  	[sflag:s0] =	ssyncadd.remote.s32 $0x1  }
0xc0: {  	_ =	sfence.sel $0xFFFF  }
0xc1: {  	[dreg:$0x0] =	wrdreg $0xFFFFFFFF;
	(pc) =	sbr.abs _section_cstart, $3  }
0xc2: {  	[dreg:$0x1] =	wrdreg $0xFFFFFFFF  }
0xc3: {  	_ =	task.clear_ibuf [dreg:s8], $0x2FFFF;
	_ =	strace $0x9FFFFFFF  }
0xc4: {  	(tm) =	ssettm $0x7FFFFFFF  }
0xc5: {  	_ =	shalt  }
tec
execute0_lowered:
.L_overlay_start_1:
0x0: {  	(tag) =	ssettag $0x1  }
0x1: {  	s1 =	rddreg [dreg:$0x0]  }
0x2: {  	s6 =	rddreg [dreg:$0x1]  }
0x3: {  	s2 =	srdreg.scid;
	s0 =	stileid.u32  }
0x4: {  	s3 =	rddreg [dreg:$0x2];
	s4 =	simm.s32 $0x0;
	s13 =	simm.s32 $0x1  }
0x5: {  	s14 =	simm.s32 $0x8;
	s5 =	sand.u32 $0x1, s2;
	s7 =	sshll.u32 s0, $0x1  }
0x6: {  	s15 =	simm.s32 $0x9D00;
	s16 =	simm.s32 $0x13A00;
	s7 =	sor.u32 s5, s7  }
0x7: {  	s17 =	simm.s32 $0x0;
	s2 =	rddreg [dreg:$0x3];
	s8 =	smul.u32 $0x1390, s7  }
0x8: {  	[smem:$0x7FF] =	sst s4;
	s10 =	ssub.s32 $0x2, s5;
	s9 =	smul.u32 $0x272, s7  }
.Ltmp0:
0x9: {  	_ =	strace $0x80000047;
	s11 =	sshrl.u32 s10, $0x1;
	(pc) =	sbr.rel .LBB2_1-.Ltmp0, $4  }
0xa: {  	s5 =	sadd.s32 $0x1600, s6;
	s12 =	smul.u32 $0xFFFFFEC7, s7;
	s10 =	ssub.s32 s10, s11  }
0xb: {  	s11 =	simm.s32 $0x2;
	s8 =	sadd.s32 s8, s6;
	s9 =	sadd.s32 s9, s6  }
0xc: {  	v1 =	vimm.f32 $0.0e+00;
	v2 =	vimm.f32 $-3.000000010e+38;
	v0 =	vmov s12;
	s12 =	simm.s32 $0x15D40;
	s6 =	sadd.s32 $0x10400, s8;
	s7 =	sadd.s32 $0x38400, s8  }
0xd: {  	v3 =	vlaneseq.u32;
	v4 =	vimm.s32 $0x0;
	v5 =	vimm.f32 $1.000000000e+00;
	s8 =	sadd.s32 $0xB400, s9;
	s9 =	smax.u32 s10, $0x1;
	s10 =	simm.s32 $0x14DA0  }
.LBB2_24:
0xe: {  	[hbm4b:s6+s4] =	stream.linear.scatter [tilespmem:s4], [sflag:$0x2], $0x9C80, $0x38;
	[tilespmem:$0x1CC30] =	vst v63  }
0xf: {  	_ =	swait.ge [sflag:s11], $0x9C80  }
0x10: {  	[sflag:s11] =	ssyncset.done $0x0  }
0x11: {  	[sflag:s11] =	ssyncadd.s32 $0xFFFF6380  }
0x12: {  	[hbm4b:s7+s4] =	stream.linear.scatter [tilespmem:s15], [sflag:$0x2], $0x9C80, $0x38;
	[tilespmem:$0x1CC30] =	vst v63  }
0x13: {  	s17 =	sadd.s32 $0x1, s17;
	_ =	swait.ge [sflag:s11], $0x9C80  }
0x14: {  	p0 =	sne.s32 s17, s9;
	[sflag:s11] =	ssyncset.done $0x0  }
.Ltmp1:
0x15: {  	[sflag:s11] =	ssyncadd.s32 $0xFFFF6380;
	(pc) =	sbr.rel @!p0 .LBB2_25-.Ltmp1, $4  }
0x16: {  	[hbm4b:s8+s4] =	stream.linear.scatter [tilespmem:s16], [sflag:$0x2], $0x1390, $0x38;
	[tilespmem:$0x1CC30] =	vst v63  }
0x17: {  	_ =	swait.ge [sflag:s11], $0x1390  }
0x18: {  	[sflag:s11] =	ssyncset.done $0x0  }
0x19: {  	[sflag:s11] =	ssyncadd.s32 $0xFFFFEC70  }
.LBB2_1:
0x1a: {  	s18 =	simm.s32 $0x40;
	s19 =	simm.s32 $0x0  }
.LBB2_2:
0x1b: {  	p0 =	sne.s32 s18, $0x273C0;
	[tilespmem:s19+$0x0] =	vst v1;
	s20 =	smov.u32 s18;
	s18 =	sadd.s32 $0x40, s18  }
.Ltmp2:
0x1c: {  	[tilespmem:s19+$0x9D00] =	vst v2;
	(pc) =	sbr.rel @p0 .LBB2_2-.Ltmp2, $2  }
0x1d: {  	_ =	sdelay $0x2  }
0x1e: {  	s19 =	sshra.s32 s20, $0x2  }
0x1f: {  	[tilespmem:s19+$0x0] =	vst v1  }
0x20: {  	s18 =	simm.s32 $0x0;
	[tilespmem:s19+$0x9D00] =	vst v2;
	s19 =	simm.s32 $0x0  }
.LBB2_4:
0x21: {  	p0 =	sne.s32 s19, $0x4E40  }
.Ltmp3:
0x22: {  	_ = 	snop;
	(pc) =	sbr.rel @p0 .LBB2_4-.Ltmp3, $3  }
0x23: {  	_ =	sdelay $0x1  }
0x24: {  	s20 =	sshra.s32 s19, $0x2  }
0x25: {  	s19 =	sadd.s32 $0x40, s19;
	[tilespmem:s20+$0x13A00] =	vst v1  }
0x26: {  	s19 =	simm.s32 $0x16CE0;
	v6 =	vor.u32 s18, v3  }
0x27: {  	s20 =	simm.s32 $0x10;
	[tilespmem:s19+$0x0] =	vst v6  }
.LBB2_6:
0x28: {  	p0 =	sne.s32 s20, $0xF90  }
.Ltmp4:
0x29: {  	_ = 	snop;
	(pc) =	sbr.rel @p0 .LBB2_6-.Ltmp4, $3  }
0x2a: {  	_ =	sdelay $0x1  }
0x2b: {  	v6 =	vor.u32 s20, v3;
	s20 =	sadd.s32 $0x10, s20;
	s19 =	sadd.s32 $0x10, s19  }
0x2c: {  	s18 =	simm.s32 $0x0;
	[tilespmem:s19+$0x0] =	vst v6  }
.Ltmp5:
0x2d: {  	(pc) =	sbr.rel .LBB2_8-.Ltmp5, $2  }
0x2e: {  	_ =	sdelay $0x2  }
0x2f: {  	s19 =	simm.s32 $0x0  }
.LBB2_23:
0x30: {  	s19 =	sadd.s32 $0x1, s19  }
0x31: {  	p0 =	sne.s32 s19, $0x50  }
.Ltmp6:
0x32: {  	_ = 	snop;
	(pc) =	sbr.rel @!p0 .LBB2_24-.Ltmp6, $1  }
0x33: {  	_ =	sdelay $0x3  }
.LBB2_8:
0x34: {  	s20 =	smul.u32 $0x1F4, s19;
	_ =	sdelay $0x1  }
0x35: {  	s21 =	sadd.s32 s5, s20  }
0x36: {  	[tilespmem:s10], [sflag:$0x2] =	stream.linear.gather [hbm4b:s21+s18], $0xFA0, $0x38;
	[tilespmem:$0x1CC30] =	vst v63  }
0x37: {  	_ =	swait.ge [sflag:s11], $0xFA0  }
0x38: {  	[sflag:s11] =	ssyncset.done $0x0  }
0x39: {  	s20 =	sadd.s32 s3, s20;
	[sflag:s11] =	ssyncadd.s32 $0xFFFFF060  }
0x3a: {  	[tilespmem:s12], [sflag:$0x2] =	stream.linear.gather [hbm4b:s20+s18], $0xFA0, $0x38;
	[tilespmem:$0x1CC30] =	vst v63  }
0x3b: {  	_ =	swait.ge [sflag:s11], $0xFA0  }
0x3c: {  	[sflag:s11] =	ssyncset.done $0x0  }
0x3d: {  	s31 =	simm.s32 $0x0;
	[sflag:s11] =	ssyncadd.s32 $0xFFFFF060  }
0x3e: {  	v6 =	vld [tilespmem:s31+$0x14DA0];
	_ =	sdelay $0x4  }
0x3f: {  	v6 =	vadd.s32 v0, v6  }
0x40: {  	vm0 =	vlt.u32 v6, $0x139  }
0x41: {  	v7 =	vsel vm0, $0x1, v4  }
0x42: {  	(xrf0) =	vadd.scan.msk.s32 $0xffff, v7;
	_ =	sdelay $0x1  }
0x43: {  	v7 =	vld [tilespmem:s31+$0x15D40];
	_ =	sdelay $0x3  }
0x44: {  	v8, _, _ =	vpop (xrf0)  }
0x45: {  	s22 =	simm.s32 $0x0;
	s20 =	simm.s32 $0x40;
	[tilespmem:s18+$0x16CE0] =	vst.msk vm0, v7;
	(v2sf) =	vpush v8, $0xF  }
.LBB2_9:
0x46: {  	s21 =	sshra.s32 s20, $0x2;
	p0 =	sne.s32 s20, $0x3E40;
	[tilespmem:s22+$0x17C80] =	vst.msk vm0, v6  }
0x47: {  	v6 =	vld [tilespmem:s21+$0x14DA0];
	_ =	sdelay $0x4  }
0x48: {  	v6 =	vadd.s32 v0, v6  }
0x49: {  	vm0 =	vlt.u32 v6, $0x139  }
0x4a: {  	v7 =	vsel vm0, $0x1, v4  }
0x4b: {  	(xrf0) =	vadd.scan.msk.s32 $0xffff, v7;
	_ =	sdelay $0x1  }
0x4c: {  	v7 =	vld [tilespmem:s21+$0x15D40]  }
.Ltmp7:
0x4d: {  	(pc) =	sbr.rel @p0 .LBB2_9-.Ltmp7, $4  }
0x4e: {  	_ = 	snop  }
0x4f: {  	s21 =	spop (v2sf)  }
0x50: {  	v8, _, _ =	vpop (xrf0);
	s22 =	sadd.s32 s22, s21  }
0x51: {  	s20 =	sadd.s32 $0x40, s20;
	[tilespmem:s22+$0x16CE0] =	vst.msk vm0, v7;
	(v2sf) =	vpush v8, $0xF;
	[smem:$0x0] =	sst s22  }
0x52: {  	_ =	sdelay $0xd  }
0x53: {  	s20 =	spop (v2sf)  }
0x54: {  	s20 =	sadd.s32 s22, s20  }
0x55: {  	s21 =	sadd.s32 $0x7F, s20  }
0x56: {  	s23 =	sand.u32 $0x7F, s21  }
0x57: {  	s31 =	sshra.s32 s21, $0x1F;
	p1 =	slt.s32 s21, $0x1;
	p0 =	sne.s32 s23, $0x0  }
0x58: {  	s23 =	sshrl.u32 s31, $0x19;
	p0 =	por !p1, !p0  }
0x59: {  	s21 =	sadd.s32 s23, s21;
	s23 =	simm.s32 $0x1;
	p0 =	por !p0, !p0  }
0x5a: {  	s21 =	sshra.s32 s21, $0x7;
	s23 =	simm.s32 @!p0 $0x0  }
0x5b: {  	s21 =	ssub.s32 s21, s23  }
0x5c: {  	p0 =	slt.s32 s21, $0x1  }
.Ltmp8:
0x5d: {  	_ = 	snop;
	(pc) =	sbr.rel @p0 .LBB2_23-.Ltmp8, $2  }
0x5e: {  	_ =	sdelay $0x2  }
0x5f: {  	[tilespmem:s22+$0x17C80] =	vst.msk vm0, v6;
	[smem:$0x0] =	sst s20  }
.Ltmp9:
0x60: {  	(pc) =	sbr.rel .LBB2_12-.Ltmp9, $3  }
0x61: {  	_ =	sdelay $0x1  }
0x62: {  	s25 =	sand.u32 $0x7, s20;
	s22 =	simm.s32 $0x0;
	s23 =	simm.s32 $0x16CE0  }
0x63: {  	s24 =	simm.s32 $0x17C80;
	p0 =	sne.s32 s25, $0x1;
	s25 =	smov.u32 s20  }
.LBB2_21:
0x64: {  	[tilespmem:s30+$0x13A00] =	vst.add.f32.msk $0xffff, v5  }
.LBB2_22:
0x65: {  	s22 =	sadd.s32 $0x1, s22  }
0x66: {  	p1 =	sne.s32 s22, s21  }
.Ltmp10:
0x67: {  	_ = 	snop;
	(pc) =	sbr.rel @!p1 .LBB2_23-.Ltmp10, $2  }
0x68: {  	_ =	sdelay $0x2  }
0x69: {  	s25 =	sadd.s32 $0xFFFFFF80, s25;
	s23 =	sadd.s32 $0x80, s23;
	s24 =	sadd.s32 $0x80, s24  }
.LBB2_12:
0x6a: {  	s26 =	sshll.u32 s22, $0x7  }
0x6b: {  	s26 =	ssub.s32 s20, s26  }
0x6c: {  	s28 =	sadd.s32 $0x7, s26  }
0x6d: {  	s29 =	sshra.s32 s28, $0x1F;
	p1 =	slt.s32 s28, $0x1  }
0x6e: {  	s29 =	sshrl.u32 s29, $0x1D;
	p1 =	por !p1, !p0  }
0x6f: {  	s28 =	sadd.s32 s29, s28;
	p1 =	por !p1, !p1;
	s29 =	simm.s32 $0x1  }
0x70: {  	s28 =	sshra.s32 s28, $0x3;
	s29 =	simm.s32 @!p1 $0x0  }
0x71: {  	s28 =	ssub.s32 s28, s29  }
0x72: {  	p2 =	slt.s32 s28, $0x1  }
.Ltmp11:
0x73: {  	_ = 	snop;
	(pc) =	sbr.rel @p2 .LBB2_18-.Ltmp11, $3  }
0x74: {  	_ =	sdelay $0x1  }
0x75: {  	p1 =	slt.s32 s28, $0x10  }
0x76: {  	s29 =	simm.s32 $0x18C30;
	s28 =	simm.s32 @!p1 $0x10  }
0x77: {  	p1 =	sne.s32 s28, $0x1  }
.Ltmp12:
0x78: {  	_ = 	snop;
	(pc) =	sbr.rel @!p1 .LBB2_15-.Ltmp12, $3  }
0x79: {  	_ =	sdelay $0x1  }
0x7a: {  	[tilespmem:s29], [sflag:$0x1] =	stream.indirect.gather [hbm4b:s1+s14], $0x80, s23, s14, $0xb8;
	[tilespmem:$0x1CC30] =	vst v63  }
0x7b: {  	s30 =	sadd.s32 $0xFFFFFFFF, s28;
	s31 =	smov.u32 s23  }
.LBB2_14:
0x7c: {  	p1 =	sne.s32 s30, $0x1  }
.Ltmp13:
0x7d: {  	_ = 	snop;
	(pc) =	sbr.rel @p1 .LBB2_14-.Ltmp13, $4  }
0x7e: {  	_ = 	snop  }
0x7f: {  	s31 =	sadd.s32 $0x8, s31;
	s29 =	sadd.s32 $0x400, s29  }
0x80: {  	s30 =	sadd.s32 $0xFFFFFFFF, s30  }
0x81: {  	[tilespmem:s29], [sflag:$0x1] =	stream.indirect.gather [hbm4b:s1+s14], $0x80, s31, s14, $0xb8;
	[tilespmem:$0x1CC30] =	vst v63  }
.LBB2_15:
0x82: {  	p1 =	sne.s32 s28, $0x1  }
.Ltmp14:
0x83: {  	_ = 	snop;
	(pc) =	sbr.rel @!p1 .LBB2_17-.Ltmp14, $3  }
0x84: {  	_ =	sdelay $0x1  }
0x85: {  	_ =	swait.ge [sflag:s13], $0x400  }
0x86: {  	s28 =	sadd.s32 $0xFFFFFFFF, s28;
	[sflag:s13] =	ssyncset.done $0x0  }
.LBB2_16:
0x87: {  	p1 =	sne.s32 s28, $0x1;
	s28 =	sadd.s32 $0xFFFFFFFF, s28;
	[sflag:s13] =	ssyncadd.s32 $0xFFFFFC00  }
.Ltmp15:
0x88: {  	(pc) =	sbr.rel @p1 .LBB2_16-.Ltmp15, $3  }
0x89: {  	_ =	sdelay $0x1  }
0x8a: {  	_ =	swait.ge [sflag:s13], $0x400  }
0x8b: {  	[sflag:s13] =	ssyncset.done $0x0  }
.LBB2_17:
0x8c: {  	[sflag:s13] =	ssyncadd.s32 $0xFFFFFC00  }
.LBB2_18:
0x8d: {  	p1 =	slt.s32 s26, $0x1  }
.Ltmp16:
0x8e: {  	_ = 	snop;
	(pc) =	sbr.rel @p1 .LBB2_22-.Ltmp16, $1  }
0x8f: {  	_ =	sdelay $0x3  }
0x90: {  	v6 =	vld [tilespmem:s24+$0x0];
	_ =	sdelay $0x4  }
0x91: {  	(v2sf) =	vpush v6, $0x0;
	_ =	sdelay $0xe  }
0x92: {  	s26 =	simm.s32 $0x18C70;
	s28 =	spop (v2sf)  }
0x93: {  	v6 =	vld [tilespmem:s26+$0xFFFFFFC0];
	s29 =	sshll.u32 s28, $0x7  }
0x94: {  	v7 =	vld [tilespmem:s29+$0x9D00];
	_ =	sdelay $0x4  }
0x95: {  	[tilespmem:s29+$0x0] =	vst.add.f32.msk $0xffff, v6;
	v6 =	vmax.f32 v7, v6  }
0x96: {  	[tilespmem:s29+$0x9D00] =	vst v6  }
0x97: {  	v6 =	vld [tilespmem:s26+$0xFFFFFFD0];
	_ =	sdelay $0x3  }
0x98: {  	s28 =	sor.u32 $0x10, s29  }
0x99: {  	[tilespmem:s28+$0x0] =	vst.add.f32.msk $0xffff, v6  }
0x9a: {  	v7 =	vld [tilespmem:s29+$0x9D10];
	_ =	sdelay $0x4  }
0x9b: {  	v6 =	vmax.f32 v7, v6  }
0x9c: {  	[tilespmem:s29+$0x9D10] =	vst v6  }
0x9d: {  	v6 =	vld [tilespmem:s26+$0xFFFFFFE0];
	_ =	sdelay $0x3  }
0x9e: {  	s28 =	sor.u32 $0x20, s29  }
0x9f: {  	[tilespmem:s28+$0x0] =	vst.add.f32.msk $0xffff, v6  }
0xa0: {  	v7 =	vld [tilespmem:s29+$0x9D20];
	_ =	sdelay $0x4  }
0xa1: {  	v6 =	vmax.f32 v7, v6  }
0xa2: {  	[tilespmem:s29+$0x9D20] =	vst v6  }
0xa3: {  	v6 =	vld [tilespmem:s26+$0xFFFFFFF0];
	_ =	sdelay $0x3  }
0xa4: {  	s28 =	sor.u32 $0x30, s29  }
0xa5: {  	[tilespmem:s28+$0x0] =	vst.add.f32.msk $0xffff, v6  }
0xa6: {  	v7 =	vld [tilespmem:s29+$0x9D30];
	_ =	sdelay $0x4  }
0xa7: {  	v6 =	vmax.f32 v7, v6  }
0xa8: {  	[tilespmem:s29+$0x9D30] =	vst v6  }
0xa9: {  	v6 =	vld [tilespmem:s26+$0x0];
	_ =	sdelay $0x3  }
0xaa: {  	s28 =	sor.u32 $0x40, s29  }
0xab: {  	[tilespmem:s28+$0x0] =	vst.add.f32.msk $0xffff, v6  }
0xac: {  	v7 =	vld [tilespmem:s29+$0x9D40];
	_ =	sdelay $0x4  }
0xad: {  	v6 =	vmax.f32 v7, v6  }
0xae: {  	[tilespmem:s29+$0x9D40] =	vst v6  }
0xaf: {  	v6 =	vld [tilespmem:s26+$0x10];
	_ =	sdelay $0x3  }
0xb0: {  	s28 =	sor.u32 $0x50, s29  }
0xb1: {  	[tilespmem:s28+$0x0] =	vst.add.f32.msk $0xffff, v6  }
0xb2: {  	v7 =	vld [tilespmem:s29+$0x9D50];
	_ =	sdelay $0x4  }
0xb3: {  	v6 =	vmax.f32 v7, v6  }
0xb4: {  	[tilespmem:s29+$0x9D50] =	vst v6  }
0xb5: {  	v6 =	vld [tilespmem:s26+$0x20];
	_ =	sdelay $0x3  }
0xb6: {  	s28 =	sor.u32 $0x60, s29  }
0xb7: {  	[tilespmem:s28+$0x0] =	vst.add.f32.msk $0xffff, v6  }
0xb8: {  	v7 =	vld [tilespmem:s29+$0x9D60];
	_ =	sdelay $0x4  }
0xb9: {  	v6 =	vmax.f32 v7, v6  }
0xba: {  	[tilespmem:s29+$0x9D60] =	vst v6  }
0xbb: {  	v6 =	vld [tilespmem:s26+$0x30];
	_ =	sdelay $0x3  }
0xbc: {  	s28 =	sor.u32 $0x70, s29  }
0xbd: {  	p1 =	sgt.s32 s25, $0x1;
	[tilespmem:s28+$0x0] =	vst.add.f32.msk $0xffff, v6;
	s28 =	smov.u32 s25  }
0xbe: {  	s28 =	simm.s32 @!p1 $0x1  }
0xbf: {  	v7 =	vld [tilespmem:s29+$0x9D70];
	s28 =	smin.u32 s28, $0x80  }
0xc0: {  	p1 =	sne.s32 s28, $0x1  }
.Ltmp17:
0xc1: {  	_ = 	snop;
	(pc) =	sbr.rel @!p1 .LBB2_21-.Ltmp17, $3  }
0xc2: {  	_ =	sdelay $0x1  }
0xc3: {  	v6 =	vmax.f32 v7, v6  }
0xc4: {  	s30 =	sshra.s32 s29, $0x3;
	s28 =	sadd.s32 $0xFFFFFFFF, s28;
	[tilespmem:s29+$0x9D70] =	vst v6;
	s29 =	smov.u32 s24  }
.LBB2_20:
0xc5: {  	p1 =	sne.s32 s28, $0x1;
	[tilespmem:s30+$0x13A00] =	vst.add.f32.msk $0xffff, v5;
	s29 =	sadd.s32 $0x1, s29;
	s26 =	sadd.s32 $0x80, s26  }
0xc6: {  	s28 =	sadd.s32 $0xFFFFFFFF, s28;
	v6 =	vld [tilespmem:s29+$0x0];
	_ =	sdelay $0x4  }
0xc7: {  	(v2sf) =	vpush v6, $0x0;
	_ =	sdelay $0xe  }
0xc8: {  	s30 =	spop (v2sf)  }
0xc9: {  	s30 =	sshll.u32 s30, $0x7;
	v6 =	vld [tilespmem:s26+$0xFFFFFFC0]  }
0xca: {  	v7 =	vld [tilespmem:s30+$0x9D00];
	_ =	sdelay $0x4  }
0xcb: {  	[tilespmem:s30+$0x0] =	vst.add.f32.msk $0xffff, v6;
	v6 =	vmax.f32 v7, v6  }
0xcc: {  	[tilespmem:s30+$0x9D00] =	vst v6  }
0xcd: {  	v6 =	vld [tilespmem:s26+$0xFFFFFFD0];
	_ =	sdelay $0x3  }
0xce: {  	s31 =	sor.u32 $0x10, s30  }
0xcf: {  	[tilespmem:s31+$0x0] =	vst.add.f32.msk $0xffff, v6  }
0xd0: {  	v7 =	vld [tilespmem:s30+$0x9D10];
	_ =	sdelay $0x4  }
0xd1: {  	v6 =	vmax.f32 v7, v6  }
0xd2: {  	[tilespmem:s30+$0x9D10] =	vst v6  }
0xd3: {  	v6 =	vld [tilespmem:s26+$0xFFFFFFE0];
	_ =	sdelay $0x3  }
0xd4: {  	s31 =	sor.u32 $0x20, s30  }
0xd5: {  	[tilespmem:s31+$0x0] =	vst.add.f32.msk $0xffff, v6  }
0xd6: {  	v7 =	vld [tilespmem:s30+$0x9D20];
	_ =	sdelay $0x4  }
0xd7: {  	v6 =	vmax.f32 v7, v6  }
0xd8: {  	[tilespmem:s30+$0x9D20] =	vst v6  }
0xd9: {  	v6 =	vld [tilespmem:s26+$0xFFFFFFF0];
	_ =	sdelay $0x3  }
0xda: {  	s31 =	sor.u32 $0x30, s30  }
0xdb: {  	[tilespmem:s31+$0x0] =	vst.add.f32.msk $0xffff, v6  }
0xdc: {  	v7 =	vld [tilespmem:s30+$0x9D30];
	_ =	sdelay $0x4  }
0xdd: {  	v6 =	vmax.f32 v7, v6  }
0xde: {  	[tilespmem:s30+$0x9D30] =	vst v6  }
0xdf: {  	v6 =	vld [tilespmem:s26+$0x0];
	_ =	sdelay $0x3  }
0xe0: {  	s31 =	sor.u32 $0x40, s30  }
0xe1: {  	[tilespmem:s31+$0x0] =	vst.add.f32.msk $0xffff, v6  }
0xe2: {  	v7 =	vld [tilespmem:s30+$0x9D40];
	_ =	sdelay $0x4  }
0xe3: {  	v6 =	vmax.f32 v7, v6  }
0xe4: {  	[tilespmem:s30+$0x9D40] =	vst v6  }
0xe5: {  	v6 =	vld [tilespmem:s26+$0x10];
	_ =	sdelay $0x3  }
0xe6: {  	s31 =	sor.u32 $0x50, s30  }
0xe7: {  	[tilespmem:s31+$0x0] =	vst.add.f32.msk $0xffff, v6  }
0xe8: {  	v7 =	vld [tilespmem:s30+$0x9D50];
	_ =	sdelay $0x4  }
0xe9: {  	v6 =	vmax.f32 v7, v6  }
0xea: {  	[tilespmem:s30+$0x9D50] =	vst v6  }
0xeb: {  	v6 =	vld [tilespmem:s26+$0x20];
	_ =	sdelay $0x3  }
0xec: {  	s31 =	sor.u32 $0x60, s30  }
0xed: {  	[tilespmem:s31+$0x0] =	vst.add.f32.msk $0xffff, v6  }
0xee: {  	v7 =	vld [tilespmem:s30+$0x9D60];
	_ =	sdelay $0x4  }
0xef: {  	v6 =	vmax.f32 v7, v6  }
0xf0: {  	[tilespmem:s30+$0x9D60] =	vst v6  }
0xf1: {  	v6 =	vld [tilespmem:s26+$0x30];
	_ =	sdelay $0x3  }
0xf2: {  	s31 =	sor.u32 $0x70, s30  }
0xf3: {  	[tilespmem:s31+$0x0] =	vst.add.f32.msk $0xffff, v6  }
0xf4: {  	v7 =	vld [tilespmem:s30+$0x9D70];
	_ =	sdelay $0x1  }
.Ltmp18:
0xf5: {  	(pc) =	sbr.rel @p1 .LBB2_20-.Ltmp18, $3  }
0xf6: {  	_ =	sdelay $0x1  }
0xf7: {  	v6 =	vmax.f32 v7, v6  }
0xf8: {  	[tilespmem:s30+$0x9D70] =	vst v6;
	s30 =	sshra.s32 s30, $0x3  }
.Ltmp19:
0xf9: {  	_ = 	snop;
	(pc) =	sbr.rel .LBB2_21-.Ltmp19, $1  }
0xfa: {  	_ =	sdelay $0x3  }
.LBB2_25:
0xfb: {  	_ =	sfence.sel $0x180000  }
0xfc: {  	[bflag:$0x0] =	sbarrier.arrive $0xFFFF  }
0xfd: {  	p0 =	sne.s32 s0, $0x0;
	_ =	strace $0x90000047  }
0xfe: {  	s0 =	sadd.s32 @!p0 $0x100000, s2;
	[bflag:$0x2] =	sbarrier.arrive $0xFFFF  }
0xff: {  	[sflag:s0] =	ssyncadd.tile.s32 @!p0 $0x1;
	_ =	shalt  }
.Lfunc_end2:
_tile_overlayer_lowered:
.L_overlay_start_2:
0x100: {  	(tag) =	ssettag $0x2  }
0x101: {  	s0 =	rddreg [dreg:$0x0];
	s2 =	stileid.u32  }
0x102: {  	s1 =	rddreg [dreg:$0x1];
	p0 =	sne.s32 s2, $0x0  }
0x103: {  	s3 =	rddreg [dreg:$0x2];
	[bflag:$0x3] =	sbarrier.arrive $0xFFFF;
	s2 =	simm.s32 @!p0 $0x1C02  }
0x104: {  	[timem:s3], [sflag:s2] =	dma.local @!p0 [hbm:s0], s1  }
0x105: {  	s0 =	simm.s32 @!p0 $0x2  }
0x106: {  	_ =	swait.ge @!p0 [sflag:s0], s1  }
0x107: {  	s1 =	ssub.s32 @!p0 $0x0, s1;
	[sflag:s0] =	ssyncset.done @!p0 $0x0  }
0x108: {  	[sflag:s0] =	ssyncadd.s32 @!p0 s1  }
0x109: {  	[bflag:$0x3] =	sbarrier.arrive $0xFFFF  }
0x10a: {  	_ =	shalt  }

</sc_bundles>
